<compile_context>
chip_gen: v7x
topology: tpu7x:2x2x1
jax: 0.10.2.dev20260603
libtpu: 0.0.44.dev20260713+nightly
codegen_flags: <defaults>
</compile_context>

<pallas_src>
import functools

import jax
import jax.numpy as jnp
from jax import lax
from jax.experimental import pallas as pl
from jax.experimental.pallas import tpu as pltpu
from jax.experimental.pallas import tpu_sc as plsc

PITCH_NUM = 128
BEAT_NUM = 64
DUR_NUM = 64
EMB = 128
B = 1024
L = 200

NW = 32
NCAT = B // NW
NBE = B // (2 * NW)
IPW = NCAT + NBE
NBUF = 2
SPLIT = 128
TBL = PITCH_NUM + DUR_NUM + BEAT_NUM
NIDX = NCAT * 2 + NBE * 2


@functools.partial(
    pl.kernel,
    out_type=(
        jax.ShapeDtypeStruct((B * 2 * L, EMB), jnp.float32),
        jax.ShapeDtypeStruct((B * L, EMB), jnp.float32),
    ),
    mesh=plsc.VectorSubcoreMesh(core_axis_name="c", subcore_axis_name="s"),
    scratch_types=(
        pltpu.VMEM_SHARED((TBL, EMB), jnp.float32),
        pltpu.VMEM((NIDX, SPLIT), jnp.int32),
        pltpu.VMEM((NIDX, L - SPLIT), jnp.int32),
        pltpu.VMEM((2 * L, EMB), jnp.float32),
        pltpu.VMEM((2 * L, EMB), jnp.float32),
        pltpu.SemaphoreType.DMA,
        pltpu.SemaphoreType.DMA,
        pltpu.SemaphoreType.DMA,
        pltpu.SemaphoreType.DMA,
    ),
)
def _sc_lookup(idxa_hbm, idxb_hbm, table_hbm,
               out_cat, out_be,
               table_sh,
               idxa_v, idxb_v,
               buf0, buf1,
               gsem0, gsem1, wsem0, wsem1):
    sid = lax.axis_index("s")
    wid = sid * 2 + lax.axis_index("c")
    b0 = wid * NCAT

    buf = (buf0, buf1)
    gsem = (gsem0, gsem1)
    wsem = (wsem0, wsem1)

    @pl.when(sid == 0)
    def _stage_table():
        pltpu.sync_copy(table_hbm, table_sh)

    pltpu.sync_copy(idxa_hbm.at[pl.ds(b0, NCAT)], idxa_v.at[pl.ds(0, NCAT)])
    pltpu.sync_copy(idxa_hbm.at[pl.ds(B + b0, NCAT)],
                    idxa_v.at[pl.ds(NCAT, NCAT)])
    pltpu.sync_copy(idxa_hbm.at[pl.ds(2 * B + b0, NCAT)],
                    idxa_v.at[pl.ds(2 * NCAT, NCAT)])
    pltpu.sync_copy(idxb_hbm.at[pl.ds(b0, NCAT)], idxb_v.at[pl.ds(0, NCAT)])
    pltpu.sync_copy(idxb_hbm.at[pl.ds(B + b0, NCAT)],
                    idxb_v.at[pl.ds(NCAT, NCAT)])
    pltpu.sync_copy(idxb_hbm.at[pl.ds(2 * B + b0, NCAT)],
                    idxb_v.at[pl.ds(2 * NCAT, NCAT)])

    plsc.subcore_barrier()

    def pair_descs(row, dst0, s):
        return (
            pltpu.make_async_copy(table_sh.at[idxa_v.at[row]],
                                  buf[s].at[pl.ds(dst0, SPLIT)], gsem[s]),
            pltpu.make_async_copy(table_sh.at[idxb_v.at[row]],
                                  buf[s].at[pl.ds(dst0 + SPLIT, L - SPLIT)],
                                  gsem[s]),
        )

    def gather_descs(i, s):
        p = i - NCAT
        ra0, ra1 = i, NCAT + i
        rb0, rb1 = 2 * NCAT + 2 * p, 2 * NCAT + 2 * p + 1
        is_cat = i < NCAT
        r0 = jnp.where(is_cat, ra0, rb0)
        r1 = jnp.where(is_cat, ra1, rb1)
        return pair_descs(r0, 0, s) + pair_descs(r1, L, s)

    def issue_gathers(i, s):
        for d in gather_descs(i, s):
            d.start()

    def drain_gathers(i, s):
        for d in gather_descs(i, s):
            d.wait()

    def issue_write(i, s):
        p = i - NCAT

        @pl.when(i < NCAT)
        def _to_cat():
            b = b0 + i
            pltpu.make_async_copy(
                buf[s], out_cat.at[pl.ds(b * (2 * L), 2 * L)], wsem[s]
            ).start()

        @pl.when(i >= NCAT)
        def _to_be():
            b = b0 + 2 * p
            pltpu.make_async_copy(
                buf[s], out_be.at[pl.ds(b * L, 2 * L)], wsem[s]
            ).start()

    def drain_write(s):
        pltpu.make_async_copy(buf[s], out_cat.at[pl.ds(0, 2 * L)],
                              wsem[s]).wait()

    issue_gathers(0, 0)

    def outer(g, carry):
        for s in range(NBUF):
            i = g * NBUF + s
            drain_gathers(i, s)
            issue_write(i, s)
            sp = (s + NBUF - 1) % NBUF
            nxt = i + NBUF - 1

            @pl.when(i >= 1)
            def _drain_prev_write():
                drain_write(sp)

            @pl.when(nxt < IPW)
            def _issue_next_gather():
                issue_gathers(nxt, sp)
        return carry

    lax.fori_loop(0, IPW // NBUF, outer, 0)
    drain_write((IPW - 1) % NBUF)


def kernel(x, beat_info, pitch_emb, beat_emb, dur_emb):
    pitch = x[..., 2]
    dur = x[..., 3]
    beat = beat_info

    table = jnp.concatenate([pitch_emb, dur_emb, beat_emb], axis=0)
    idx = jnp.concatenate(
        [pitch, dur + PITCH_NUM, beat + (PITCH_NUM + DUR_NUM)], axis=0
    )
    idxa = idx[:, :SPLIT]
    idxb = idx[:, SPLIT:]

    out_cat_rows, be_rows = _sc_lookup(idxa, idxb, table)
    out_cat = out_cat_rows.reshape(B, 2 * L, EMB)
    be = be_rows.reshape(B, L, EMB)
    return (out_cat, be, beat, pitch, dur)

# --- scband reference (transcript-rebuilt; emitter-appended) ---
"""Pipeline reference for scband-cpembedding-layer-3238405341626 (READ-ONLY COPY).

The authoritative reference and input builder live on the scoring server;
editing this copy changes nothing except your own understanding.
"""

import jax, jax.numpy as jnp
import numpy as np

PITCH_NUM = 128
BEAT_NUM = 64
DUR_NUM = 64
EMB = 128
B = 1024
L = 200

def setup_inputs(seed: int = 0):
    key = jax.random.key(seed)
    k1, k2, k3, k4, k5 = jax.random.split(key, 5)
    x = jax.random.randint(k1, (B, L, 4), 0, 64, dtype=jnp.int32)
    beat_info = jax.random.randint(k2, (B, L), 0, 64, dtype=jnp.int32)
    pitch_emb = jax.random.normal(k3, (PITCH_NUM, EMB), dtype=jnp.float32)
    beat_emb = jax.random.normal(k4, (BEAT_NUM, EMB), dtype=jnp.float32)
    dur_emb = jax.random.normal(k5, (DUR_NUM, EMB), dtype=jnp.float32)
    return {"x": x, "beat_info": beat_info, "pitch_emb": pitch_emb, "beat_emb": beat_emb, "dur_emb": dur_emb}

def reference(x, beat_info, pitch_emb, beat_emb, dur_emb):
    # convert(): the vocab dicts (pitch2idx/beat2idx/dur2idx) act as identity maps
    # for in-range values (inputs are generated in-range), so the per-element
    # .apply_ dict lookup reduces to identity.
    pitch = x[..., 2]
    dur = x[..., 3]
    beat = beat_info
    pe = jnp.take(pitch_emb, pitch, axis=0)
    be = jnp.take(beat_emb, beat, axis=0)
    de = jnp.take(dur_emb, dur, axis=0)
    out_cat = jnp.concatenate((pe, de), axis=1)
    return (out_cat, be, beat, pitch, dur)

if __name__ == "__main__":
    import jax
    _d = setup_inputs()
    print(jax.jit(kernel)(*tuple(_d.values())))

</pallas_src>

<mosaic_0001>
#map = affine_map<(d0, d1) -> (0, 0)>
module attributes {stable_mosaic.version = 14 : i64} {
  func.func @_sc_lookup(%arg0: i32, %arg1: i32, %arg2: memref<3072x128xi32, #tpu.memory_space<hbm>>, %arg3: memref<3072x72xi32, #tpu.memory_space<hbm>>, %arg4: memref<256x128xf32, #tpu.memory_space<hbm>>, %arg5: memref<409600x128xf32, #tpu.memory_space<hbm>>, %arg6: memref<204800x128xf32, #tpu.memory_space<hbm>>, %arg7: memref<256x128xf32, #tpu.memory_space<vmem_shared>>, %arg8: memref<96x128xi32, #tpu.memory_space<vmem>>, %arg9: memref<96x72xi32, #tpu.memory_space<vmem>>, %arg10: memref<400x128xf32, #tpu.memory_space<vmem>>, %arg11: memref<400x128xf32, #tpu.memory_space<vmem>>, %arg12: memref<!tpu.dma_semaphore, #tpu.memory_space<semaphore_mem>>, %arg13: memref<!tpu.dma_semaphore, #tpu.memory_space<semaphore_mem>>, %arg14: memref<!tpu.dma_semaphore, #tpu.memory_space<semaphore_mem>>, %arg15: memref<!tpu.dma_semaphore, #tpu.memory_space<semaphore_mem>>) attributes {dimension_semantics = [#tpu.dimension_semantics<core_parallel>, #tpu.dimension_semantics<subcore_parallel>], iteration_bounds = array<i64: 2, 16>, scalar_prefetch = 0 : i64, scratch_operands = 9 : i64, tpu.core_type = #tpu.core_type<sc_vector_subcore>, window_params = [{transform_indices = #map}, {transform_indices = #map}, {transform_indices = #map}, {transform_indices = #map}, {transform_indices = #map}]} {
    %mul3A = arith.constant 2 : i32
    %mul3A_0 = arith.muli %arg1, %mul3A : i32
    %add3A = arith.addi %mul3A_0, %arg0 : i32
    %mul3A_1 = arith.constant 32 : i32
    %mul3A_2 = arith.muli %add3A, %mul3A_1 : i32
    %eq3A = arith.constant 0 : i32
    %eq3A_3 = arith.cmpi eq, %arg1, %eq3A : i32
    %convert_element_type3A = arith.extui %eq3A_3 : i1 to i32
    %cond3A = arith.constant 0 : i32
    %cond3A_4 = arith.cmpi ne, %convert_element_type3A, %cond3A : i32
    scf.if %cond3A_4 {
      "tpu.region"() ({
        %run_scoped3A = tpu.sem_alloc : memref<!tpu.dma_semaphore, #tpu.memory_space<semaphore_mem>>
        tpu.enqueue_dma source(%arg4 : memref<256x128xf32, #tpu.memory_space<hbm>>) target(%arg7 : memref<256x128xf32, #tpu.memory_space<vmem_shared>>) target_semaphore(%run_scoped3A : memref<!tpu.dma_semaphore, #tpu.memory_space<semaphore_mem>>)
        tpu.wait_dma2 semaphore(%run_scoped3A : memref<!tpu.dma_semaphore, #tpu.memory_space<semaphore_mem>>) src(%arg4 : memref<256x128xf32, #tpu.memory_space<hbm>>) dst(%arg7 : memref<256x128xf32, #tpu.memory_space<vmem_shared>>)
        tpu.yield
      }) : () -> ()
    } else {
    }
    "tpu.region"() ({
      %run_scoped3A = tpu.sem_alloc : memref<!tpu.dma_semaphore, #tpu.memory_space<semaphore_mem>>
      %dma_start3A_64 = arith.constant 0 : i32
      %dma_start3A_65 = arith.constant 0 : i32
      %dma_start3A_66 = tpu.memref_slice %arg8[%dma_start3A_64, %dma_start3A_65] : memref<96x128xi32, #tpu.memory_space<vmem>> -> memref<32x128xi32, #tpu.memory_space<vmem>>
      %dma_start3A_67 = arith.constant 0 : i32
      %dma_start3A_68 = tpu.memref_slice %arg2[%mul3A_2, %dma_start3A_67] : memref<3072x128xi32, #tpu.memory_space<hbm>> -> memref<32x128xi32, #tpu.memory_space<hbm>>
      %dma_start3A_69 = arith.constant 0 : i32
      %dma_start3A_70 = arith.constant 0 : i32
      %dma_start3A_71 = tpu.memref_slice %arg8[%dma_start3A_69, %dma_start3A_70] : memref<96x128xi32, #tpu.memory_space<vmem>> -> memref<32x128xi32, #tpu.memory_space<vmem>>
      %dma_start3A_72 = arith.constant 0 : i32
      %dma_start3A_73 = tpu.memref_slice %arg2[%mul3A_2, %dma_start3A_72] : memref<3072x128xi32, #tpu.memory_space<hbm>> -> memref<32x128xi32, #tpu.memory_space<hbm>>
      tpu.enqueue_dma source(%dma_start3A_73 : memref<32x128xi32, #tpu.memory_space<hbm>>) target(%dma_start3A_71 : memref<32x128xi32, #tpu.memory_space<vmem>>) target_semaphore(%run_scoped3A : memref<!tpu.dma_semaphore, #tpu.memory_space<semaphore_mem>>)
      %dma_wait3A_74 = arith.constant 0 : i32
      %dma_wait3A_75 = arith.constant 0 : i32
      %dma_wait3A_76 = tpu.memref_slice %arg8[%dma_wait3A_74, %dma_wait3A_75] : memref<96x128xi32, #tpu.memory_space<vmem>> -> memref<32x128xi32, #tpu.memory_space<vmem>>
      %dma_wait3A_77 = arith.constant 0 : i32
      %dma_wait3A_78 = tpu.memref_slice %arg2[%mul3A_2, %dma_wait3A_77] : memref<3072x128xi32, #tpu.memory_space<hbm>> -> memref<32x128xi32, #tpu.memory_space<hbm>>
      %dma_wait3A_79 = arith.constant 0 : i32
      %dma_wait3A_80 = arith.constant 0 : i32
      %dma_wait3A_81 = tpu.memref_slice %arg8[%dma_wait3A_79, %dma_wait3A_80] : memref<96x128xi32, #tpu.memory_space<vmem>> -> memref<32x128xi32, #tpu.memory_space<vmem>>
      %dma_wait3A_82 = arith.constant 0 : i32
      %dma_wait3A_83 = tpu.memref_slice %arg2[%mul3A_2, %dma_wait3A_82] : memref<3072x128xi32, #tpu.memory_space<hbm>> -> memref<32x128xi32, #tpu.memory_space<hbm>>
      tpu.wait_dma2 semaphore(%run_scoped3A : memref<!tpu.dma_semaphore, #tpu.memory_space<semaphore_mem>>) src(%dma_wait3A_83 : memref<32x128xi32, #tpu.memory_space<hbm>>) dst(%dma_wait3A_81 : memref<32x128xi32, #tpu.memory_space<vmem>>)
      tpu.yield
    }) : () -> ()
    %add3A_5 = arith.constant 1024 : i32
    %add3A_6 = arith.addi %add3A_5, %mul3A_2 : i32
    "tpu.region"() ({
      %run_scoped3A = tpu.sem_alloc : memref<!tpu.dma_semaphore, #tpu.memory_space<semaphore_mem>>
      %dma_start3A_64 = arith.constant 32 : i32
      %dma_start3A_65 = arith.constant 0 : i32
      %dma_start3A_66 = tpu.memref_slice %arg8[%dma_start3A_64, %dma_start3A_65] : memref<96x128xi32, #tpu.memory_space<vmem>> -> memref<32x128xi32, #tpu.memory_space<vmem>>
      %dma_start3A_67 = arith.constant 0 : i32
      %dma_start3A_68 = tpu.memref_slice %arg2[%add3A_6, %dma_start3A_67] : memref<3072x128xi32, #tpu.memory_space<hbm>> -> memref<32x128xi32, #tpu.memory_space<hbm>>
      %dma_start3A_69 = arith.constant 32 : i32
      %dma_start3A_70 = arith.constant 0 : i32
      %dma_start3A_71 = tpu.memref_slice %arg8[%dma_start3A_69, %dma_start3A_70] : memref<96x128xi32, #tpu.memory_space<vmem>> -> memref<32x128xi32, #tpu.memory_space<vmem>>
      %dma_start3A_72 = arith.constant 0 : i32
      %dma_start3A_73 = tpu.memref_slice %arg2[%add3A_6, %dma_start3A_72] : memref<3072x128xi32, #tpu.memory_space<hbm>> -> memref<32x128xi32, #tpu.memory_space<hbm>>
      tpu.enqueue_dma source(%dma_start3A_73 : memref<32x128xi32, #tpu.memory_space<hbm>>) target(%dma_start3A_71 : memref<32x128xi32, #tpu.memory_space<vmem>>) target_semaphore(%run_scoped3A : memref<!tpu.dma_semaphore, #tpu.memory_space<semaphore_mem>>)
      %dma_wait3A_74 = arith.constant 32 : i32
      %dma_wait3A_75 = arith.constant 0 : i32
      %dma_wait3A_76 = tpu.memref_slice %arg8[%dma_wait3A_74, %dma_wait3A_75] : memref<96x128xi32, #tpu.memory_space<vmem>> -> memref<32x128xi32, #tpu.memory_space<vmem>>
      %dma_wait3A_77 = arith.constant 0 : i32
      %dma_wait3A_78 = tpu.memref_slice %arg2[%add3A_6, %dma_wait3A_77] : memref<3072x128xi32, #tpu.memory_space<hbm>> -> memref<32x128xi32, #tpu.memory_space<hbm>>
      %dma_wait3A_79 = arith.constant 32 : i32
      %dma_wait3A_80 = arith.constant 0 : i32
      %dma_wait3A_81 = tpu.memref_slice %arg8[%dma_wait3A_79, %dma_wait3A_80] : memref<96x128xi32, #tpu.memory_space<vmem>> -> memref<32x128xi32, #tpu.memory_space<vmem>>
      %dma_wait3A_82 = arith.constant 0 : i32
      %dma_wait3A_83 = tpu.memref_slice %arg2[%add3A_6, %dma_wait3A_82] : memref<3072x128xi32, #tpu.memory_space<hbm>> -> memref<32x128xi32, #tpu.memory_space<hbm>>
      tpu.wait_dma2 semaphore(%run_scoped3A : memref<!tpu.dma_semaphore, #tpu.memory_space<semaphore_mem>>) src(%dma_wait3A_83 : memref<32x128xi32, #tpu.memory_space<hbm>>) dst(%dma_wait3A_81 : memref<32x128xi32, #tpu.memory_space<vmem>>)
      tpu.yield
    }) : () -> ()
    %add3A_7 = arith.constant 2048 : i32
    %add3A_8 = arith.addi %add3A_7, %mul3A_2 : i32
    "tpu.region"() ({
      %run_scoped3A = tpu.sem_alloc : memref<!tpu.dma_semaphore, #tpu.memory_space<semaphore_mem>>
      %dma_start3A_64 = arith.constant 64 : i32
      %dma_start3A_65 = arith.constant 0 : i32
      %dma_start3A_66 = tpu.memref_slice %arg8[%dma_start3A_64, %dma_start3A_65] : memref<96x128xi32, #tpu.memory_space<vmem>> -> memref<32x128xi32, #tpu.memory_space<vmem>>
      %dma_start3A_67 = arith.constant 0 : i32
      %dma_start3A_68 = tpu.memref_slice %arg2[%add3A_8, %dma_start3A_67] : memref<3072x128xi32, #tpu.memory_space<hbm>> -> memref<32x128xi32, #tpu.memory_space<hbm>>
      %dma_start3A_69 = arith.constant 64 : i32
      %dma_start3A_70 = arith.constant 0 : i32
      %dma_start3A_71 = tpu.memref_slice %arg8[%dma_start3A_69, %dma_start3A_70] : memref<96x128xi32, #tpu.memory_space<vmem>> -> memref<32x128xi32, #tpu.memory_space<vmem>>
      %dma_start3A_72 = arith.constant 0 : i32
      %dma_start3A_73 = tpu.memref_slice %arg2[%add3A_8, %dma_start3A_72] : memref<3072x128xi32, #tpu.memory_space<hbm>> -> memref<32x128xi32, #tpu.memory_space<hbm>>
      tpu.enqueue_dma source(%dma_start3A_73 : memref<32x128xi32, #tpu.memory_space<hbm>>) target(%dma_start3A_71 : memref<32x128xi32, #tpu.memory_space<vmem>>) target_semaphore(%run_scoped3A : memref<!tpu.dma_semaphore, #tpu.memory_space<semaphore_mem>>)
      %dma_wait3A_74 = arith.constant 64 : i32
      %dma_wait3A_75 = arith.constant 0 : i32
      %dma_wait3A_76 = tpu.memref_slice %arg8[%dma_wait3A_74, %dma_wait3A_75] : memref<96x128xi32, #tpu.memory_space<vmem>> -> memref<32x128xi32, #tpu.memory_space<vmem>>
      %dma_wait3A_77 = arith.constant 0 : i32
      %dma_wait3A_78 = tpu.memref_slice %arg2[%add3A_8, %dma_wait3A_77] : memref<3072x128xi32, #tpu.memory_space<hbm>> -> memref<32x128xi32, #tpu.memory_space<hbm>>
      %dma_wait3A_79 = arith.constant 64 : i32
      %dma_wait3A_80 = arith.constant 0 : i32
      %dma_wait3A_81 = tpu.memref_slice %arg8[%dma_wait3A_79, %dma_wait3A_80] : memref<96x128xi32, #tpu.memory_space<vmem>> -> memref<32x128xi32, #tpu.memory_space<vmem>>
      %dma_wait3A_82 = arith.constant 0 : i32
      %dma_wait3A_83 = tpu.memref_slice %arg2[%add3A_8, %dma_wait3A_82] : memref<3072x128xi32, #tpu.memory_space<hbm>> -> memref<32x128xi32, #tpu.memory_space<hbm>>
      tpu.wait_dma2 semaphore(%run_scoped3A : memref<!tpu.dma_semaphore, #tpu.memory_space<semaphore_mem>>) src(%dma_wait3A_83 : memref<32x128xi32, #tpu.memory_space<hbm>>) dst(%dma_wait3A_81 : memref<32x128xi32, #tpu.memory_space<vmem>>)
      tpu.yield
    }) : () -> ()
    "tpu.region"() ({
      %run_scoped3A = tpu.sem_alloc : memref<!tpu.dma_semaphore, #tpu.memory_space<semaphore_mem>>
      %dma_start3A_64 = arith.constant 0 : i32
      %dma_start3A_65 = arith.constant 0 : i32
      %dma_start3A_66 = tpu.memref_slice %arg9[%dma_start3A_64, %dma_start3A_65] : memref<96x72xi32, #tpu.memory_space<vmem>> -> memref<32x72xi32, #tpu.memory_space<vmem>>
      %dma_start3A_67 = arith.constant 0 : i32
      %dma_start3A_68 = tpu.memref_slice %arg3[%mul3A_2, %dma_start3A_67] : memref<3072x72xi32, #tpu.memory_space<hbm>> -> memref<32x72xi32, #tpu.memory_space<hbm>>
      %dma_start3A_69 = arith.constant 0 : i32
      %dma_start3A_70 = arith.constant 0 : i32
      %dma_start3A_71 = tpu.memref_slice %arg9[%dma_start3A_69, %dma_start3A_70] : memref<96x72xi32, #tpu.memory_space<vmem>> -> memref<32x72xi32, #tpu.memory_space<vmem>>
      %dma_start3A_72 = arith.constant 0 : i32
      %dma_start3A_73 = tpu.memref_slice %arg3[%mul3A_2, %dma_start3A_72] : memref<3072x72xi32, #tpu.memory_space<hbm>> -> memref<32x72xi32, #tpu.memory_space<hbm>>
      tpu.enqueue_dma source(%dma_start3A_73 : memref<32x72xi32, #tpu.memory_space<hbm>>) target(%dma_start3A_71 : memref<32x72xi32, #tpu.memory_space<vmem>>) target_semaphore(%run_scoped3A : memref<!tpu.dma_semaphore, #tpu.memory_space<semaphore_mem>>)
      %dma_wait3A_74 = arith.constant 0 : i32
      %dma_wait3A_75 = arith.constant 0 : i32
      %dma_wait3A_76 = tpu.memref_slice %arg9[%dma_wait3A_74, %dma_wait3A_75] : memref<96x72xi32, #tpu.memory_space<vmem>> -> memref<32x72xi32, #tpu.memory_space<vmem>>
      %dma_wait3A_77 = arith.constant 0 : i32
      %dma_wait3A_78 = tpu.memref_slice %arg3[%mul3A_2, %dma_wait3A_77] : memref<3072x72xi32, #tpu.memory_space<hbm>> -> memref<32x72xi32, #tpu.memory_space<hbm>>
      %dma_wait3A_79 = arith.constant 0 : i32
      %dma_wait3A_80 = arith.constant 0 : i32
      %dma_wait3A_81 = tpu.memref_slice %arg9[%dma_wait3A_79, %dma_wait3A_80] : memref<96x72xi32, #tpu.memory_space<vmem>> -> memref<32x72xi32, #tpu.memory_space<vmem>>
      %dma_wait3A_82 = arith.constant 0 : i32
      %dma_wait3A_83 = tpu.memref_slice %arg3[%mul3A_2, %dma_wait3A_82] : memref<3072x72xi32, #tpu.memory_space<hbm>> -> memref<32x72xi32, #tpu.memory_space<hbm>>
      tpu.wait_dma2 semaphore(%run_scoped3A : memref<!tpu.dma_semaphore, #tpu.memory_space<semaphore_mem>>) src(%dma_wait3A_83 : memref<32x72xi32, #tpu.memory_space<hbm>>) dst(%dma_wait3A_81 : memref<32x72xi32, #tpu.memory_space<vmem>>)
      tpu.yield
    }) : () -> ()
    %add3A_9 = arith.constant 1024 : i32
    %add3A_10 = arith.addi %add3A_9, %mul3A_2 : i32
    "tpu.region"() ({
      %run_scoped3A = tpu.sem_alloc : memref<!tpu.dma_semaphore, #tpu.memory_space<semaphore_mem>>
      %dma_start3A_64 = arith.constant 32 : i32
      %dma_start3A_65 = arith.constant 0 : i32
      %dma_start3A_66 = tpu.memref_slice %arg9[%dma_start3A_64, %dma_start3A_65] : memref<96x72xi32, #tpu.memory_space<vmem>> -> memref<32x72xi32, #tpu.memory_space<vmem>>
      %dma_start3A_67 = arith.constant 0 : i32
      %dma_start3A_68 = tpu.memref_slice %arg3[%add3A_10, %dma_start3A_67] : memref<3072x72xi32, #tpu.memory_space<hbm>> -> memref<32x72xi32, #tpu.memory_space<hbm>>
      %dma_start3A_69 = arith.constant 32 : i32
      %dma_start3A_70 = arith.constant 0 : i32
      %dma_start3A_71 = tpu.memref_slice %arg9[%dma_start3A_69, %dma_start3A_70] : memref<96x72xi32, #tpu.memory_space<vmem>> -> memref<32x72xi32, #tpu.memory_space<vmem>>
      %dma_start3A_72 = arith.constant 0 : i32
      %dma_start3A_73 = tpu.memref_slice %arg3[%add3A_10, %dma_start3A_72] : memref<3072x72xi32, #tpu.memory_space<hbm>> -> memref<32x72xi32, #tpu.memory_space<hbm>>
      tpu.enqueue_dma source(%dma_start3A_73 : memref<32x72xi32, #tpu.memory_space<hbm>>) target(%dma_start3A_71 : memref<32x72xi32, #tpu.memory_space<vmem>>) target_semaphore(%run_scoped3A : memref<!tpu.dma_semaphore, #tpu.memory_space<semaphore_mem>>)
      %dma_wait3A_74 = arith.constant 32 : i32
      %dma_wait3A_75 = arith.constant 0 : i32
      %dma_wait3A_76 = tpu.memref_slice %arg9[%dma_wait3A_74, %dma_wait3A_75] : memref<96x72xi32, #tpu.memory_space<vmem>> -> memref<32x72xi32, #tpu.memory_space<vmem>>
      %dma_wait3A_77 = arith.constant 0 : i32
      %dma_wait3A_78 = tpu.memref_slice %arg3[%add3A_10, %dma_wait3A_77] : memref<3072x72xi32, #tpu.memory_space<hbm>> -> memref<32x72xi32, #tpu.memory_space<hbm>>
      %dma_wait3A_79 = arith.constant 32 : i32
      %dma_wait3A_80 = arith.constant 0 : i32
      %dma_wait3A_81 = tpu.memref_slice %arg9[%dma_wait3A_79, %dma_wait3A_80] : memref<96x72xi32, #tpu.memory_space<vmem>> -> memref<32x72xi32, #tpu.memory_space<vmem>>
      %dma_wait3A_82 = arith.constant 0 : i32
      %dma_wait3A_83 = tpu.memref_slice %arg3[%add3A_10, %dma_wait3A_82] : memref<3072x72xi32, #tpu.memory_space<hbm>> -> memref<32x72xi32, #tpu.memory_space<hbm>>
      tpu.wait_dma2 semaphore(%run_scoped3A : memref<!tpu.dma_semaphore, #tpu.memory_space<semaphore_mem>>) src(%dma_wait3A_83 : memref<32x72xi32, #tpu.memory_space<hbm>>) dst(%dma_wait3A_81 : memref<32x72xi32, #tpu.memory_space<vmem>>)
      tpu.yield
    }) : () -> ()
    %add3A_11 = arith.constant 2048 : i32
    %add3A_12 = arith.addi %add3A_11, %mul3A_2 : i32
    "tpu.region"() ({
      %run_scoped3A = tpu.sem_alloc : memref<!tpu.dma_semaphore, #tpu.memory_space<semaphore_mem>>
      %dma_start3A_64 = arith.constant 64 : i32
      %dma_start3A_65 = arith.constant 0 : i32
      %dma_start3A_66 = tpu.memref_slice %arg9[%dma_start3A_64, %dma_start3A_65] : memref<96x72xi32, #tpu.memory_space<vmem>> -> memref<32x72xi32, #tpu.memory_space<vmem>>
      %dma_start3A_67 = arith.constant 0 : i32
      %dma_start3A_68 = tpu.memref_slice %arg3[%add3A_12, %dma_start3A_67] : memref<3072x72xi32, #tpu.memory_space<hbm>> -> memref<32x72xi32, #tpu.memory_space<hbm>>
      %dma_start3A_69 = arith.constant 64 : i32
      %dma_start3A_70 = arith.constant 0 : i32
      %dma_start3A_71 = tpu.memref_slice %arg9[%dma_start3A_69, %dma_start3A_70] : memref<96x72xi32, #tpu.memory_space<vmem>> -> memref<32x72xi32, #tpu.memory_space<vmem>>
      %dma_start3A_72 = arith.constant 0 : i32
      %dma_start3A_73 = tpu.memref_slice %arg3[%add3A_12, %dma_start3A_72] : memref<3072x72xi32, #tpu.memory_space<hbm>> -> memref<32x72xi32, #tpu.memory_space<hbm>>
      tpu.enqueue_dma source(%dma_start3A_73 : memref<32x72xi32, #tpu.memory_space<hbm>>) target(%dma_start3A_71 : memref<32x72xi32, #tpu.memory_space<vmem>>) target_semaphore(%run_scoped3A : memref<!tpu.dma_semaphore, #tpu.memory_space<semaphore_mem>>)
      %dma_wait3A_74 = arith.constant 64 : i32
      %dma_wait3A_75 = arith.constant 0 : i32
      %dma_wait3A_76 = tpu.memref_slice %arg9[%dma_wait3A_74, %dma_wait3A_75] : memref<96x72xi32, #tpu.memory_space<vmem>> -> memref<32x72xi32, #tpu.memory_space<vmem>>
      %dma_wait3A_77 = arith.constant 0 : i32
      %dma_wait3A_78 = tpu.memref_slice %arg3[%add3A_12, %dma_wait3A_77] : memref<3072x72xi32, #tpu.memory_space<hbm>> -> memref<32x72xi32, #tpu.memory_space<hbm>>
      %dma_wait3A_79 = arith.constant 64 : i32
      %dma_wait3A_80 = arith.constant 0 : i32
      %dma_wait3A_81 = tpu.memref_slice %arg9[%dma_wait3A_79, %dma_wait3A_80] : memref<96x72xi32, #tpu.memory_space<vmem>> -> memref<32x72xi32, #tpu.memory_space<vmem>>
      %dma_wait3A_82 = arith.constant 0 : i32
      %dma_wait3A_83 = tpu.memref_slice %arg3[%add3A_12, %dma_wait3A_82] : memref<3072x72xi32, #tpu.memory_space<hbm>> -> memref<32x72xi32, #tpu.memory_space<hbm>>
      tpu.wait_dma2 semaphore(%run_scoped3A : memref<!tpu.dma_semaphore, #tpu.memory_space<semaphore_mem>>) src(%dma_wait3A_83 : memref<32x72xi32, #tpu.memory_space<hbm>>) dst(%dma_wait3A_81 : memref<32x72xi32, #tpu.memory_space<vmem>>)
      tpu.yield
    }) : () -> ()
    %barrier3A = arith.constant 0 : index
    tpu.barrier barrier_id(%barrier3A)
    %jit3A = arith.constant true
    %jit3A_13 = arith.constant 0 : i32
    %jit3A_14 = arith.constant 0 : i32
    %select_n3A = arith.select %jit3A, %jit3A_13, %jit3A_14 : i32
    %jit3A_15 = arith.constant true
    %jit3A_16 = arith.constant 32 : i32
    %jit3A_17 = arith.constant 1 : i32
    %select_n3A_18 = arith.select %jit3A_15, %jit3A_16, %jit3A_17 : i32
    %dma_start3A = arith.constant 0 : i32
    %dma_start3A_19 = arith.constant 0 : i32
    %dma_start3A_20 = tpu.memref_slice %arg10[%dma_start3A, %dma_start3A_19] : memref<400x128xf32, #tpu.memory_space<vmem>> -> memref<128x128xf32, #tpu.memory_space<vmem>>
    %dma_start3A_21 = arith.constant 0 : i32
    %dma_start3A_22 = tpu.memref_slice %arg8[%select_n3A, %dma_start3A_21] : memref<96x128xi32, #tpu.memory_space<vmem>> -> memref<1x128xi32, #tpu.memory_space<vmem>>
    %dma_start3A_23 = tpu.memref_squeeze %dma_start3A_22 : memref<1x128xi32, #tpu.memory_space<vmem>> -> memref<128xi32, #tpu.memory_space<vmem>>
    %dma_start3A_24 = arith.constant 0 : i32
    %dma_start3A_25 = arith.constant 0 : i32
    %dma_start3A_26 = tpu.memref_slice %arg7[%dma_start3A_24, %dma_start3A_25] : memref<256x128xf32, #tpu.memory_space<vmem_shared>> -> memref<256x128xf32, #tpu.memory_space<vmem_shared>>
    tpu.enqueue_indirect_dma source(%dma_start3A_26 : memref<256x128xf32, #tpu.memory_space<vmem_shared>>) target(%dma_start3A_20 : memref<128x128xf32, #tpu.memory_space<vmem>>) offsets(%dma_start3A_23 : memref<128xi32, #tpu.memory_space<vmem>>) semaphore(%arg12 : memref<!tpu.dma_semaphore, #tpu.memory_space<semaphore_mem>>)
    %dma_start3A_27 = arith.constant 128 : i32
    %dma_start3A_28 = arith.constant 0 : i32
    %dma_start3A_29 = tpu.memref_slice %arg10[%dma_start3A_27, %dma_start3A_28] : memref<400x128xf32, #tpu.memory_space<vmem>> -> memref<72x128xf32, #tpu.memory_space<vmem>>
    %dma_start3A_30 = arith.constant 0 : i32
    %dma_start3A_31 = tpu.memref_slice %arg9[%select_n3A, %dma_start3A_30] : memref<96x72xi32, #tpu.memory_space<vmem>> -> memref<1x72xi32, #tpu.memory_space<vmem>>
    %dma_start3A_32 = tpu.memref_squeeze %dma_start3A_31 : memref<1x72xi32, #tpu.memory_space<vmem>> -> memref<72xi32, #tpu.memory_space<vmem>>
    %dma_start3A_33 = arith.constant 0 : i32
    %dma_start3A_34 = arith.constant 0 : i32
    %dma_start3A_35 = tpu.memref_slice %arg7[%dma_start3A_33, %dma_start3A_34] : memref<256x128xf32, #tpu.memory_space<vmem_shared>> -> memref<256x128xf32, #tpu.memory_space<vmem_shared>>
    tpu.enqueue_indirect_dma source(%dma_start3A_35 : memref<256x128xf32, #tpu.memory_space<vmem_shared>>) target(%dma_start3A_29 : memref<72x128xf32, #tpu.memory_space<vmem>>) offsets(%dma_start3A_32 : memref<72xi32, #tpu.memory_space<vmem>>) semaphore(%arg12 : memref<!tpu.dma_semaphore, #tpu.memory_space<semaphore_mem>>)
    %dma_start3A_36 = arith.constant 200 : i32
    %dma_start3A_37 = arith.constant 0 : i32
    %dma_start3A_38 = tpu.memref_slice %arg10[%dma_start3A_36, %dma_start3A_37] : memref<400x128xf32, #tpu.memory_space<vmem>> -> memref<128x128xf32, #tpu.memory_space<vmem>>
    %dma_start3A_39 = arith.constant 0 : i32
    %dma_start3A_40 = tpu.memref_slice %arg8[%select_n3A_18, %dma_start3A_39] : memref<96x128xi32, #tpu.memory_space<vmem>> -> memref<1x128xi32, #tpu.memory_space<vmem>>
    %dma_start3A_41 = tpu.memref_squeeze %dma_start3A_40 : memref<1x128xi32, #tpu.memory_space<vmem>> -> memref<128xi32, #tpu.memory_space<vmem>>
    %dma_start3A_42 = arith.constant 0 : i32
    %dma_start3A_43 = arith.constant 0 : i32
    %dma_start3A_44 = tpu.memref_slice %arg7[%dma_start3A_42, %dma_start3A_43] : memref<256x128xf32, #tpu.memory_space<vmem_shared>> -> memref<256x128xf32, #tpu.memory_space<vmem_shared>>
    tpu.enqueue_indirect_dma source(%dma_start3A_44 : memref<256x128xf32, #tpu.memory_space<vmem_shared>>) target(%dma_start3A_38 : memref<128x128xf32, #tpu.memory_space<vmem>>) offsets(%dma_start3A_41 : memref<128xi32, #tpu.memory_space<vmem>>) semaphore(%arg12 : memref<!tpu.dma_semaphore, #tpu.memory_space<semaphore_mem>>)
    %dma_start3A_45 = arith.constant 328 : i32
    %dma_start3A_46 = arith.constant 0 : i32
    %dma_start3A_47 = tpu.memref_slice %arg10[%dma_start3A_45, %dma_start3A_46] : memref<400x128xf32, #tpu.memory_space<vmem>> -> memref<72x128xf32, #tpu.memory_space<vmem>>
    %dma_start3A_48 = arith.constant 0 : i32
    %dma_start3A_49 = tpu.memref_slice %arg9[%select_n3A_18, %dma_start3A_48] : memref<96x72xi32, #tpu.memory_space<vmem>> -> memref<1x72xi32, #tpu.memory_space<vmem>>
    %dma_start3A_50 = tpu.memref_squeeze %dma_start3A_49 : memref<1x72xi32, #tpu.memory_space<vmem>> -> memref<72xi32, #tpu.memory_space<vmem>>
    %dma_start3A_51 = arith.constant 0 : i32
    %dma_start3A_52 = arith.constant 0 : i32
    %dma_start3A_53 = tpu.memref_slice %arg7[%dma_start3A_51, %dma_start3A_52] : memref<256x128xf32, #tpu.memory_space<vmem_shared>> -> memref<256x128xf32, #tpu.memory_space<vmem_shared>>
    tpu.enqueue_indirect_dma source(%dma_start3A_53 : memref<256x128xf32, #tpu.memory_space<vmem_shared>>) target(%dma_start3A_47 : memref<72x128xf32, #tpu.memory_space<vmem>>) offsets(%dma_start3A_50 : memref<72xi32, #tpu.memory_space<vmem>>) semaphore(%arg12 : memref<!tpu.dma_semaphore, #tpu.memory_space<semaphore_mem>>)
    %scan3A = arith.constant 0 : i32
    %scan3A_54 = arith.constant 0 : i32
    %scan3A_55 = arith.constant 24 : i32
    %scan3A_56 = arith.addi %scan3A_54, %scan3A_55 : i32
    %scan3A_57 = arith.constant 1 : i32
    scf.for %scan3A_64 = %scan3A_54 to %scan3A_56 step %scan3A_57  : i32 {
      %mul3A_65 = arith.constant 2 : i32
      %mul3A_66 = arith.muli %scan3A_64, %mul3A_65 : i32
      %add3A_67 = arith.constant 0 : i32
      %add3A_68 = arith.addi %mul3A_66, %add3A_67 : i32
      %sub3A = arith.constant 32 : i32
      %sub3A_69 = arith.subi %add3A_68, %sub3A : i32
      %add3A_70 = arith.constant 32 : i32
      %add3A_71 = arith.addi %add3A_70, %add3A_68 : i32
      %mul3A_72 = arith.constant 2 : i32
      %mul3A_73 = arith.muli %mul3A_72, %sub3A_69 : i32
      %add3A_74 = arith.constant 64 : i32
      %add3A_75 = arith.addi %add3A_74, %mul3A_73 : i32
      %mul3A_76 = arith.constant 2 : i32
      %mul3A_77 = arith.muli %mul3A_76, %sub3A_69 : i32
      %add3A_78 = arith.constant 64 : i32
      %add3A_79 = arith.addi %add3A_78, %mul3A_77 : i32
      %add3A_80 = arith.constant 1 : i32
      %add3A_81 = arith.addi %add3A_79, %add3A_80 : i32
      %lt3A = arith.constant 32 : i32
      %lt3A_82 = arith.cmpi slt, %add3A_68, %lt3A : i32
      %select_n3A_83 = arith.select %lt3A_82, %add3A_68, %add3A_75 : i32
      %select_n3A_84 = arith.select %lt3A_82, %add3A_71, %add3A_81 : i32
      %dma_wait3A_85 = arith.constant 0 : i32
      %dma_wait3A_86 = arith.constant 0 : i32
      %dma_wait3A_87 = tpu.memref_slice %arg10[%dma_wait3A_85, %dma_wait3A_86] : memref<400x128xf32, #tpu.memory_space<vmem>> -> memref<128x128xf32, #tpu.memory_space<vmem>>
      %dma_wait3A_88 = arith.constant 0 : i32
      %dma_wait3A_89 = tpu.memref_slice %arg8[%select_n3A_83, %dma_wait3A_88] : memref<96x128xi32, #tpu.memory_space<vmem>> -> memref<1x128xi32, #tpu.memory_space<vmem>>
      %dma_wait3A_90 = tpu.memref_squeeze %dma_wait3A_89 : memref<1x128xi32, #tpu.memory_space<vmem>> -> memref<128xi32, #tpu.memory_space<vmem>>
      %dma_wait3A_91 = arith.constant 0 : i32
      %dma_wait3A_92 = arith.constant 0 : i32
      %dma_wait3A_93 = tpu.memref_slice %arg7[%dma_wait3A_91, %dma_wait3A_92] : memref<256x128xf32, #tpu.memory_space<vmem_shared>> -> memref<256x128xf32, #tpu.memory_space<vmem_shared>>
      tpu.wait_indirect_dma semaphore(%arg12 : memref<!tpu.dma_semaphore, #tpu.memory_space<semaphore_mem>>) src(%dma_wait3A_93 : memref<256x128xf32, #tpu.memory_space<vmem_shared>>) dst(%dma_wait3A_87 : memref<128x128xf32, #tpu.memory_space<vmem>>)
      %dma_wait3A_94 = arith.constant 128 : i32
      %dma_wait3A_95 = arith.constant 0 : i32
      %dma_wait3A_96 = tpu.memref_slice %arg10[%dma_wait3A_94, %dma_wait3A_95] : memref<400x128xf32, #tpu.memory_space<vmem>> -> memref<72x128xf32, #tpu.memory_space<vmem>>
      %dma_wait3A_97 = arith.constant 0 : i32
      %dma_wait3A_98 = tpu.memref_slice %arg9[%select_n3A_83, %dma_wait3A_97] : memref<96x72xi32, #tpu.memory_space<vmem>> -> memref<1x72xi32, #tpu.memory_space<vmem>>
      %dma_wait3A_99 = tpu.memref_squeeze %dma_wait3A_98 : memref<1x72xi32, #tpu.memory_space<vmem>> -> memref<72xi32, #tpu.memory_space<vmem>>
      %dma_wait3A_100 = arith.constant 0 : i32
      %dma_wait3A_101 = arith.constant 0 : i32
      %dma_wait3A_102 = tpu.memref_slice %arg7[%dma_wait3A_100, %dma_wait3A_101] : memref<256x128xf32, #tpu.memory_space<vmem_shared>> -> memref<256x128xf32, #tpu.memory_space<vmem_shared>>
      tpu.wait_indirect_dma semaphore(%arg12 : memref<!tpu.dma_semaphore, #tpu.memory_space<semaphore_mem>>) src(%dma_wait3A_102 : memref<256x128xf32, #tpu.memory_space<vmem_shared>>) dst(%dma_wait3A_96 : memref<72x128xf32, #tpu.memory_space<vmem>>)
      %dma_wait3A_103 = arith.constant 200 : i32
      %dma_wait3A_104 = arith.constant 0 : i32
      %dma_wait3A_105 = tpu.memref_slice %arg10[%dma_wait3A_103, %dma_wait3A_104] : memref<400x128xf32, #tpu.memory_space<vmem>> -> memref<128x128xf32, #tpu.memory_space<vmem>>
      %dma_wait3A_106 = arith.constant 0 : i32
      %dma_wait3A_107 = tpu.memref_slice %arg8[%select_n3A_84, %dma_wait3A_106] : memref<96x128xi32, #tpu.memory_space<vmem>> -> memref<1x128xi32, #tpu.memory_space<vmem>>
      %dma_wait3A_108 = tpu.memref_squeeze %dma_wait3A_107 : memref<1x128xi32, #tpu.memory_space<vmem>> -> memref<128xi32, #tpu.memory_space<vmem>>
      %dma_wait3A_109 = arith.constant 0 : i32
      %dma_wait3A_110 = arith.constant 0 : i32
      %dma_wait3A_111 = tpu.memref_slice %arg7[%dma_wait3A_109, %dma_wait3A_110] : memref<256x128xf32, #tpu.memory_space<vmem_shared>> -> memref<256x128xf32, #tpu.memory_space<vmem_shared>>
      tpu.wait_indirect_dma semaphore(%arg12 : memref<!tpu.dma_semaphore, #tpu.memory_space<semaphore_mem>>) src(%dma_wait3A_111 : memref<256x128xf32, #tpu.memory_space<vmem_shared>>) dst(%dma_wait3A_105 : memref<128x128xf32, #tpu.memory_space<vmem>>)
      %dma_wait3A_112 = arith.constant 328 : i32
      %dma_wait3A_113 = arith.constant 0 : i32
      %dma_wait3A_114 = tpu.memref_slice %arg10[%dma_wait3A_112, %dma_wait3A_113] : memref<400x128xf32, #tpu.memory_space<vmem>> -> memref<72x128xf32, #tpu.memory_space<vmem>>
      %dma_wait3A_115 = arith.constant 0 : i32
      %dma_wait3A_116 = tpu.memref_slice %arg9[%select_n3A_84, %dma_wait3A_115] : memref<96x72xi32, #tpu.memory_space<vmem>> -> memref<1x72xi32, #tpu.memory_space<vmem>>
      %dma_wait3A_117 = tpu.memref_squeeze %dma_wait3A_116 : memref<1x72xi32, #tpu.memory_space<vmem>> -> memref<72xi32, #tpu.memory_space<vmem>>
      %dma_wait3A_118 = arith.constant 0 : i32
      %dma_wait3A_119 = arith.constant 0 : i32
      %dma_wait3A_120 = tpu.memref_slice %arg7[%dma_wait3A_118, %dma_wait3A_119] : memref<256x128xf32, #tpu.memory_space<vmem_shared>> -> memref<256x128xf32, #tpu.memory_space<vmem_shared>>
      tpu.wait_indirect_dma semaphore(%arg12 : memref<!tpu.dma_semaphore, #tpu.memory_space<semaphore_mem>>) src(%dma_wait3A_120 : memref<256x128xf32, #tpu.memory_space<vmem_shared>>) dst(%dma_wait3A_114 : memref<72x128xf32, #tpu.memory_space<vmem>>)
      %sub3A_121 = arith.constant 32 : i32
      %sub3A_122 = arith.subi %add3A_68, %sub3A_121 : i32
      %lt3A_123 = arith.constant 32 : i32
      %lt3A_124 = arith.cmpi slt, %add3A_68, %lt3A_123 : i32
      %convert_element_type3A_125 = arith.extui %lt3A_124 : i1 to i32
      %cond3A_126 = arith.constant 0 : i32
      %cond3A_127 = arith.cmpi ne, %convert_element_type3A_125, %cond3A_126 : i32
      scf.if %cond3A_127 {
        %add3A_230 = arith.addi %mul3A_2, %add3A_68 : i32
        %mul3A_231 = arith.constant 400 : i32
        %mul3A_232 = arith.muli %add3A_230, %mul3A_231 : i32
        %dma_start3A_233 = arith.constant 0 : i32
        %dma_start3A_234 = tpu.memref_slice %arg5[%mul3A_232, %dma_start3A_233] : memref<409600x128xf32, #tpu.memory_space<hbm>> -> memref<400x128xf32, #tpu.memory_space<hbm>>
        %dma_start3A_235 = arith.constant 0 : i32
        %dma_start3A_236 = tpu.memref_slice %arg5[%mul3A_232, %dma_start3A_235] : memref<409600x128xf32, #tpu.memory_space<hbm>> -> memref<400x128xf32, #tpu.memory_space<hbm>>
        tpu.enqueue_dma source(%arg10 : memref<400x128xf32, #tpu.memory_space<vmem>>) target(%dma_start3A_236 : memref<400x128xf32, #tpu.memory_space<hbm>>) target_semaphore(%arg14 : memref<!tpu.dma_semaphore, #tpu.memory_space<semaphore_mem>>)
      } else {
      }
      %ge3A = arith.constant 32 : i32
      %ge3A_128 = arith.cmpi sge, %add3A_68, %ge3A : i32
      %convert_element_type3A_129 = arith.extui %ge3A_128 : i1 to i32
      %cond3A_130 = arith.constant 0 : i32
      %cond3A_131 = arith.cmpi ne, %convert_element_type3A_129, %cond3A_130 : i32
      scf.if %cond3A_131 {
        %mul3A_230 = arith.constant 2 : i32
        %mul3A_231 = arith.muli %mul3A_230, %sub3A_122 : i32
        %add3A_232 = arith.addi %mul3A_2, %mul3A_231 : i32
        %mul3A_233 = arith.constant 200 : i32
        %mul3A_234 = arith.muli %add3A_232, %mul3A_233 : i32
        %dma_start3A_235 = arith.constant 0 : i32
        %dma_start3A_236 = tpu.memref_slice %arg6[%mul3A_234, %dma_start3A_235] : memref<204800x128xf32, #tpu.memory_space<hbm>> -> memref<400x128xf32, #tpu.memory_space<hbm>>
        %dma_start3A_237 = arith.constant 0 : i32
        %dma_start3A_238 = tpu.memref_slice %arg6[%mul3A_234, %dma_start3A_237] : memref<204800x128xf32, #tpu.memory_space<hbm>> -> memref<400x128xf32, #tpu.memory_space<hbm>>
        tpu.enqueue_dma source(%arg10 : memref<400x128xf32, #tpu.memory_space<vmem>>) target(%dma_start3A_238 : memref<400x128xf32, #tpu.memory_space<hbm>>) target_semaphore(%arg14 : memref<!tpu.dma_semaphore, #tpu.memory_space<semaphore_mem>>)
      } else {
      }
      %add3A_132 = arith.constant 2 : i32
      %add3A_133 = arith.addi %add3A_68, %add3A_132 : i32
      %sub3A_134 = arith.constant 1 : i32
      %sub3A_135 = arith.subi %add3A_133, %sub3A_134 : i32
      %ge3A_136 = arith.constant 1 : i32
      %ge3A_137 = arith.cmpi sge, %add3A_68, %ge3A_136 : i32
      %convert_element_type3A_138 = arith.extui %ge3A_137 : i1 to i32
      %cond3A_139 = arith.constant 0 : i32
      %cond3A_140 = arith.cmpi ne, %convert_element_type3A_138, %cond3A_139 : i32
      scf.if %cond3A_140 {
        %dma_wait3A_230 = arith.constant 0 : i32
        %dma_wait3A_231 = arith.constant 0 : i32
        %dma_wait3A_232 = tpu.memref_slice %arg5[%dma_wait3A_230, %dma_wait3A_231] : memref<409600x128xf32, #tpu.memory_space<hbm>> -> memref<400x128xf32, #tpu.memory_space<hbm>>
        %dma_wait3A_233 = arith.constant 0 : i32
        %dma_wait3A_234 = arith.constant 0 : i32
        %dma_wait3A_235 = tpu.memref_slice %arg5[%dma_wait3A_233, %dma_wait3A_234] : memref<409600x128xf32, #tpu.memory_space<hbm>> -> memref<400x128xf32, #tpu.memory_space<hbm>>
        tpu.wait_dma2 semaphore(%arg15 : memref<!tpu.dma_semaphore, #tpu.memory_space<semaphore_mem>>) src(%arg11 : memref<400x128xf32, #tpu.memory_space<vmem>>) dst(%dma_wait3A_235 : memref<400x128xf32, #tpu.memory_space<hbm>>)
      } else {
      }
      %lt3A_141 = arith.constant 48 : i32
      %lt3A_142 = arith.cmpi slt, %sub3A_135, %lt3A_141 : i32
      %convert_element_type3A_143 = arith.extui %lt3A_142 : i1 to i32
      %cond3A_144 = arith.constant 0 : i32
      %cond3A_145 = arith.cmpi ne, %convert_element_type3A_143, %cond3A_144 : i32
      scf.if %cond3A_145 {
        %sub3A_230 = arith.constant 32 : i32
        %sub3A_231 = arith.subi %sub3A_135, %sub3A_230 : i32
        %add3A_232 = arith.constant 32 : i32
        %add3A_233 = arith.addi %add3A_232, %sub3A_135 : i32
        %mul3A_234 = arith.constant 2 : i32
        %mul3A_235 = arith.muli %mul3A_234, %sub3A_231 : i32
        %add3A_236 = arith.constant 64 : i32
        %add3A_237 = arith.addi %add3A_236, %mul3A_235 : i32
        %mul3A_238 = arith.constant 2 : i32
        %mul3A_239 = arith.muli %mul3A_238, %sub3A_231 : i32
        %add3A_240 = arith.constant 64 : i32
        %add3A_241 = arith.addi %add3A_240, %mul3A_239 : i32
        %add3A_242 = arith.constant 1 : i32
        %add3A_243 = arith.addi %add3A_241, %add3A_242 : i32
        %lt3A_244 = arith.constant 32 : i32
        %lt3A_245 = arith.cmpi slt, %sub3A_135, %lt3A_244 : i32
        %select_n3A_246 = arith.select %lt3A_245, %sub3A_135, %add3A_237 : i32
        %select_n3A_247 = arith.select %lt3A_245, %add3A_233, %add3A_243 : i32
        %dma_start3A_248 = arith.constant 0 : i32
        %dma_start3A_249 = arith.constant 0 : i32
        %dma_start3A_250 = tpu.memref_slice %arg11[%dma_start3A_248, %dma_start3A_249] : memref<400x128xf32, #tpu.memory_space<vmem>> -> memref<128x128xf32, #tpu.memory_space<vmem>>
        %dma_start3A_251 = arith.constant 0 : i32
        %dma_start3A_252 = tpu.memref_slice %arg8[%select_n3A_246, %dma_start3A_251] : memref<96x128xi32, #tpu.memory_space<vmem>> -> memref<1x128xi32, #tpu.memory_space<vmem>>
        %dma_start3A_253 = tpu.memref_squeeze %dma_start3A_252 : memref<1x128xi32, #tpu.memory_space<vmem>> -> memref<128xi32, #tpu.memory_space<vmem>>
        %dma_start3A_254 = arith.constant 0 : i32
        %dma_start3A_255 = arith.constant 0 : i32
        %dma_start3A_256 = tpu.memref_slice %arg7[%dma_start3A_254, %dma_start3A_255] : memref<256x128xf32, #tpu.memory_space<vmem_shared>> -> memref<256x128xf32, #tpu.memory_space<vmem_shared>>
        tpu.enqueue_indirect_dma source(%dma_start3A_256 : memref<256x128xf32, #tpu.memory_space<vmem_shared>>) target(%dma_start3A_250 : memref<128x128xf32, #tpu.memory_space<vmem>>) offsets(%dma_start3A_253 : memref<128xi32, #tpu.memory_space<vmem>>) semaphore(%arg13 : memref<!tpu.dma_semaphore, #tpu.memory_space<semaphore_mem>>)
        %dma_start3A_257 = arith.constant 128 : i32
        %dma_start3A_258 = arith.constant 0 : i32
        %dma_start3A_259 = tpu.memref_slice %arg11[%dma_start3A_257, %dma_start3A_258] : memref<400x128xf32, #tpu.memory_space<vmem>> -> memref<72x128xf32, #tpu.memory_space<vmem>>
        %dma_start3A_260 = arith.constant 0 : i32
        %dma_start3A_261 = tpu.memref_slice %arg9[%select_n3A_246, %dma_start3A_260] : memref<96x72xi32, #tpu.memory_space<vmem>> -> memref<1x72xi32, #tpu.memory_space<vmem>>
        %dma_start3A_262 = tpu.memref_squeeze %dma_start3A_261 : memref<1x72xi32, #tpu.memory_space<vmem>> -> memref<72xi32, #tpu.memory_space<vmem>>
        %dma_start3A_263 = arith.constant 0 : i32
        %dma_start3A_264 = arith.constant 0 : i32
        %dma_start3A_265 = tpu.memref_slice %arg7[%dma_start3A_263, %dma_start3A_264] : memref<256x128xf32, #tpu.memory_space<vmem_shared>> -> memref<256x128xf32, #tpu.memory_space<vmem_shared>>
        tpu.enqueue_indirect_dma source(%dma_start3A_265 : memref<256x128xf32, #tpu.memory_space<vmem_shared>>) target(%dma_start3A_259 : memref<72x128xf32, #tpu.memory_space<vmem>>) offsets(%dma_start3A_262 : memref<72xi32, #tpu.memory_space<vmem>>) semaphore(%arg13 : memref<!tpu.dma_semaphore, #tpu.memory_space<semaphore_mem>>)
        %dma_start3A_266 = arith.constant 200 : i32
        %dma_start3A_267 = arith.constant 0 : i32
        %dma_start3A_268 = tpu.memref_slice %arg11[%dma_start3A_266, %dma_start3A_267] : memref<400x128xf32, #tpu.memory_space<vmem>> -> memref<128x128xf32, #tpu.memory_space<vmem>>
        %dma_start3A_269 = arith.constant 0 : i32
        %dma_start3A_270 = tpu.memref_slice %arg8[%select_n3A_247, %dma_start3A_269] : memref<96x128xi32, #tpu.memory_space<vmem>> -> memref<1x128xi32, #tpu.memory_space<vmem>>
        %dma_start3A_271 = tpu.memref_squeeze %dma_start3A_270 : memref<1x128xi32, #tpu.memory_space<vmem>> -> memref<128xi32, #tpu.memory_space<vmem>>
        %dma_start3A_272 = arith.constant 0 : i32
        %dma_start3A_273 = arith.constant 0 : i32
        %dma_start3A_274 = tpu.memref_slice %arg7[%dma_start3A_272, %dma_start3A_273] : memref<256x128xf32, #tpu.memory_space<vmem_shared>> -> memref<256x128xf32, #tpu.memory_space<vmem_shared>>
        tpu.enqueue_indirect_dma source(%dma_start3A_274 : memref<256x128xf32, #tpu.memory_space<vmem_shared>>) target(%dma_start3A_268 : memref<128x128xf32, #tpu.memory_space<vmem>>) offsets(%dma_start3A_271 : memref<128xi32, #tpu.memory_space<vmem>>) semaphore(%arg13 : memref<!tpu.dma_semaphore, #tpu.memory_space<semaphore_mem>>)
        %dma_start3A_275 = arith.constant 328 : i32
        %dma_start3A_276 = arith.constant 0 : i32
        %dma_start3A_277 = tpu.memref_slice %arg11[%dma_start3A_275, %dma_start3A_276] : memref<400x128xf32, #tpu.memory_space<vmem>> -> memref<72x128xf32, #tpu.memory_space<vmem>>
        %dma_start3A_278 = arith.constant 0 : i32
        %dma_start3A_279 = tpu.memref_slice %arg9[%select_n3A_247, %dma_start3A_278] : memref<96x72xi32, #tpu.memory_space<vmem>> -> memref<1x72xi32, #tpu.memory_space<vmem>>
        %dma_start3A_280 = tpu.memref_squeeze %dma_start3A_279 : memref<1x72xi32, #tpu.memory_space<vmem>> -> memref<72xi32, #tpu.memory_space<vmem>>
        %dma_start3A_281 = arith.constant 0 : i32
        %dma_start3A_282 = arith.constant 0 : i32
        %dma_start3A_283 = tpu.memref_slice %arg7[%dma_start3A_281, %dma_start3A_282] : memref<256x128xf32, #tpu.memory_space<vmem_shared>> -> memref<256x128xf32, #tpu.memory_space<vmem_shared>>
        tpu.enqueue_indirect_dma source(%dma_start3A_283 : memref<256x128xf32, #tpu.memory_space<vmem_shared>>) target(%dma_start3A_277 : memref<72x128xf32, #tpu.memory_space<vmem>>) offsets(%dma_start3A_280 : memref<72xi32, #tpu.memory_space<vmem>>) semaphore(%arg13 : memref<!tpu.dma_semaphore, #tpu.memory_space<semaphore_mem>>)
      } else {
      }
      %mul3A_146 = arith.constant 2 : i32
      %mul3A_147 = arith.muli %scan3A_64, %mul3A_146 : i32
      %add3A_148 = arith.constant 1 : i32
      %add3A_149 = arith.addi %mul3A_147, %add3A_148 : i32
      %sub3A_150 = arith.constant 32 : i32
      %sub3A_151 = arith.subi %add3A_149, %sub3A_150 : i32
      %add3A_152 = arith.constant 32 : i32
      %add3A_153 = arith.addi %add3A_152, %add3A_149 : i32
      %mul3A_154 = arith.constant 2 : i32
      %mul3A_155 = arith.muli %mul3A_154, %sub3A_151 : i32
      %add3A_156 = arith.constant 64 : i32
      %add3A_157 = arith.addi %add3A_156, %mul3A_155 : i32
      %mul3A_158 = arith.constant 2 : i32
      %mul3A_159 = arith.muli %mul3A_158, %sub3A_151 : i32
      %add3A_160 = arith.constant 64 : i32
      %add3A_161 = arith.addi %add3A_160, %mul3A_159 : i32
      %add3A_162 = arith.constant 1 : i32
      %add3A_163 = arith.addi %add3A_161, %add3A_162 : i32
      %lt3A_164 = arith.constant 32 : i32
      %lt3A_165 = arith.cmpi slt, %add3A_149, %lt3A_164 : i32
      %select_n3A_166 = arith.select %lt3A_165, %add3A_149, %add3A_157 : i32
      %select_n3A_167 = arith.select %lt3A_165, %add3A_153, %add3A_163 : i32
      %dma_wait3A_168 = arith.constant 0 : i32
      %dma_wait3A_169 = arith.constant 0 : i32
      %dma_wait3A_170 = tpu.memref_slice %arg11[%dma_wait3A_168, %dma_wait3A_169] : memref<400x128xf32, #tpu.memory_space<vmem>> -> memref<128x128xf32, #tpu.memory_space<vmem>>
      %dma_wait3A_171 = arith.constant 0 : i32
      %dma_wait3A_172 = tpu.memref_slice %arg8[%select_n3A_166, %dma_wait3A_171] : memref<96x128xi32, #tpu.memory_space<vmem>> -> memref<1x128xi32, #tpu.memory_space<vmem>>
      %dma_wait3A_173 = tpu.memref_squeeze %dma_wait3A_172 : memref<1x128xi32, #tpu.memory_space<vmem>> -> memref<128xi32, #tpu.memory_space<vmem>>
      %dma_wait3A_174 = arith.constant 0 : i32
      %dma_wait3A_175 = arith.constant 0 : i32
      %dma_wait3A_176 = tpu.memref_slice %arg7[%dma_wait3A_174, %dma_wait3A_175] : memref<256x128xf32, #tpu.memory_space<vmem_shared>> -> memref<256x128xf32, #tpu.memory_space<vmem_shared>>
      tpu.wait_indirect_dma semaphore(%arg13 : memref<!tpu.dma_semaphore, #tpu.memory_space<semaphore_mem>>) src(%dma_wait3A_176 : memref<256x128xf32, #tpu.memory_space<vmem_shared>>) dst(%dma_wait3A_170 : memref<128x128xf32, #tpu.memory_space<vmem>>)
      %dma_wait3A_177 = arith.constant 128 : i32
      %dma_wait3A_178 = arith.constant 0 : i32
      %dma_wait3A_179 = tpu.memref_slice %arg11[%dma_wait3A_177, %dma_wait3A_178] : memref<400x128xf32, #tpu.memory_space<vmem>> -> memref<72x128xf32, #tpu.memory_space<vmem>>
      %dma_wait3A_180 = arith.constant 0 : i32
      %dma_wait3A_181 = tpu.memref_slice %arg9[%select_n3A_166, %dma_wait3A_180] : memref<96x72xi32, #tpu.memory_space<vmem>> -> memref<1x72xi32, #tpu.memory_space<vmem>>
      %dma_wait3A_182 = tpu.memref_squeeze %dma_wait3A_181 : memref<1x72xi32, #tpu.memory_space<vmem>> -> memref<72xi32, #tpu.memory_space<vmem>>
      %dma_wait3A_183 = arith.constant 0 : i32
      %dma_wait3A_184 = arith.constant 0 : i32
      %dma_wait3A_185 = tpu.memref_slice %arg7[%dma_wait3A_183, %dma_wait3A_184] : memref<256x128xf32, #tpu.memory_space<vmem_shared>> -> memref<256x128xf32, #tpu.memory_space<vmem_shared>>
      tpu.wait_indirect_dma semaphore(%arg13 : memref<!tpu.dma_semaphore, #tpu.memory_space<semaphore_mem>>) src(%dma_wait3A_185 : memref<256x128xf32, #tpu.memory_space<vmem_shared>>) dst(%dma_wait3A_179 : memref<72x128xf32, #tpu.memory_space<vmem>>)
      %dma_wait3A_186 = arith.constant 200 : i32
      %dma_wait3A_187 = arith.constant 0 : i32
      %dma_wait3A_188 = tpu.memref_slice %arg11[%dma_wait3A_186, %dma_wait3A_187] : memref<400x128xf32, #tpu.memory_space<vmem>> -> memref<128x128xf32, #tpu.memory_space<vmem>>
      %dma_wait3A_189 = arith.constant 0 : i32
      %dma_wait3A_190 = tpu.memref_slice %arg8[%select_n3A_167, %dma_wait3A_189] : memref<96x128xi32, #tpu.memory_space<vmem>> -> memref<1x128xi32, #tpu.memory_space<vmem>>
      %dma_wait3A_191 = tpu.memref_squeeze %dma_wait3A_190 : memref<1x128xi32, #tpu.memory_space<vmem>> -> memref<128xi32, #tpu.memory_space<vmem>>
      %dma_wait3A_192 = arith.constant 0 : i32
      %dma_wait3A_193 = arith.constant 0 : i32
      %dma_wait3A_194 = tpu.memref_slice %arg7[%dma_wait3A_192, %dma_wait3A_193] : memref<256x128xf32, #tpu.memory_space<vmem_shared>> -> memref<256x128xf32, #tpu.memory_space<vmem_shared>>
      tpu.wait_indirect_dma semaphore(%arg13 : memref<!tpu.dma_semaphore, #tpu.memory_space<semaphore_mem>>) src(%dma_wait3A_194 : memref<256x128xf32, #tpu.memory_space<vmem_shared>>) dst(%dma_wait3A_188 : memref<128x128xf32, #tpu.memory_space<vmem>>)
      %dma_wait3A_195 = arith.constant 328 : i32
      %dma_wait3A_196 = arith.constant 0 : i32
      %dma_wait3A_197 = tpu.memref_slice %arg11[%dma_wait3A_195, %dma_wait3A_196] : memref<400x128xf32, #tpu.memory_space<vmem>> -> memref<72x128xf32, #tpu.memory_space<vmem>>
      %dma_wait3A_198 = arith.constant 0 : i32
      %dma_wait3A_199 = tpu.memref_slice %arg9[%select_n3A_167, %dma_wait3A_198] : memref<96x72xi32, #tpu.memory_space<vmem>> -> memref<1x72xi32, #tpu.memory_space<vmem>>
      %dma_wait3A_200 = tpu.memref_squeeze %dma_wait3A_199 : memref<1x72xi32, #tpu.memory_space<vmem>> -> memref<72xi32, #tpu.memory_space<vmem>>
      %dma_wait3A_201 = arith.constant 0 : i32
      %dma_wait3A_202 = arith.constant 0 : i32
      %dma_wait3A_203 = tpu.memref_slice %arg7[%dma_wait3A_201, %dma_wait3A_202] : memref<256x128xf32, #tpu.memory_space<vmem_shared>> -> memref<256x128xf32, #tpu.memory_space<vmem_shared>>
      tpu.wait_indirect_dma semaphore(%arg13 : memref<!tpu.dma_semaphore, #tpu.memory_space<semaphore_mem>>) src(%dma_wait3A_203 : memref<256x128xf32, #tpu.memory_space<vmem_shared>>) dst(%dma_wait3A_197 : memref<72x128xf32, #tpu.memory_space<vmem>>)
      %sub3A_204 = arith.constant 32 : i32
      %sub3A_205 = arith.subi %add3A_149, %sub3A_204 : i32
      %lt3A_206 = arith.constant 32 : i32
      %lt3A_207 = arith.cmpi slt, %add3A_149, %lt3A_206 : i32
      %convert_element_type3A_208 = arith.extui %lt3A_207 : i1 to i32
      %cond3A_209 = arith.constant 0 : i32
      %cond3A_210 = arith.cmpi ne, %convert_element_type3A_208, %cond3A_209 : i32
      scf.if %cond3A_210 {
        %add3A_230 = arith.addi %mul3A_2, %add3A_149 : i32
        %mul3A_231 = arith.constant 400 : i32
        %mul3A_232 = arith.muli %add3A_230, %mul3A_231 : i32
        %dma_start3A_233 = arith.constant 0 : i32
        %dma_start3A_234 = tpu.memref_slice %arg5[%mul3A_232, %dma_start3A_233] : memref<409600x128xf32, #tpu.memory_space<hbm>> -> memref<400x128xf32, #tpu.memory_space<hbm>>
        %dma_start3A_235 = arith.constant 0 : i32
        %dma_start3A_236 = tpu.memref_slice %arg5[%mul3A_232, %dma_start3A_235] : memref<409600x128xf32, #tpu.memory_space<hbm>> -> memref<400x128xf32, #tpu.memory_space<hbm>>
        tpu.enqueue_dma source(%arg11 : memref<400x128xf32, #tpu.memory_space<vmem>>) target(%dma_start3A_236 : memref<400x128xf32, #tpu.memory_space<hbm>>) target_semaphore(%arg15 : memref<!tpu.dma_semaphore, #tpu.memory_space<semaphore_mem>>)
      } else {
      }
      %ge3A_211 = arith.constant 32 : i32
      %ge3A_212 = arith.cmpi sge, %add3A_149, %ge3A_211 : i32
      %convert_element_type3A_213 = arith.extui %ge3A_212 : i1 to i32
      %cond3A_214 = arith.constant 0 : i32
      %cond3A_215 = arith.cmpi ne, %convert_element_type3A_213, %cond3A_214 : i32
      scf.if %cond3A_215 {
        %mul3A_230 = arith.constant 2 : i32
        %mul3A_231 = arith.muli %mul3A_230, %sub3A_205 : i32
        %add3A_232 = arith.addi %mul3A_2, %mul3A_231 : i32
        %mul3A_233 = arith.constant 200 : i32
        %mul3A_234 = arith.muli %add3A_232, %mul3A_233 : i32
        %dma_start3A_235 = arith.constant 0 : i32
        %dma_start3A_236 = tpu.memref_slice %arg6[%mul3A_234, %dma_start3A_235] : memref<204800x128xf32, #tpu.memory_space<hbm>> -> memref<400x128xf32, #tpu.memory_space<hbm>>
        %dma_start3A_237 = arith.constant 0 : i32
        %dma_start3A_238 = tpu.memref_slice %arg6[%mul3A_234, %dma_start3A_237] : memref<204800x128xf32, #tpu.memory_space<hbm>> -> memref<400x128xf32, #tpu.memory_space<hbm>>
        tpu.enqueue_dma source(%arg11 : memref<400x128xf32, #tpu.memory_space<vmem>>) target(%dma_start3A_238 : memref<400x128xf32, #tpu.memory_space<hbm>>) target_semaphore(%arg15 : memref<!tpu.dma_semaphore, #tpu.memory_space<semaphore_mem>>)
      } else {
      }
      %add3A_216 = arith.constant 2 : i32
      %add3A_217 = arith.addi %add3A_149, %add3A_216 : i32
      %sub3A_218 = arith.constant 1 : i32
      %sub3A_219 = arith.subi %add3A_217, %sub3A_218 : i32
      %ge3A_220 = arith.constant 1 : i32
      %ge3A_221 = arith.cmpi sge, %add3A_149, %ge3A_220 : i32
      %convert_element_type3A_222 = arith.extui %ge3A_221 : i1 to i32
      %cond3A_223 = arith.constant 0 : i32
      %cond3A_224 = arith.cmpi ne, %convert_element_type3A_222, %cond3A_223 : i32
      scf.if %cond3A_224 {
        %dma_wait3A_230 = arith.constant 0 : i32
        %dma_wait3A_231 = arith.constant 0 : i32
        %dma_wait3A_232 = tpu.memref_slice %arg5[%dma_wait3A_230, %dma_wait3A_231] : memref<409600x128xf32, #tpu.memory_space<hbm>> -> memref<400x128xf32, #tpu.memory_space<hbm>>
        %dma_wait3A_233 = arith.constant 0 : i32
        %dma_wait3A_234 = arith.constant 0 : i32
        %dma_wait3A_235 = tpu.memref_slice %arg5[%dma_wait3A_233, %dma_wait3A_234] : memref<409600x128xf32, #tpu.memory_space<hbm>> -> memref<400x128xf32, #tpu.memory_space<hbm>>
        tpu.wait_dma2 semaphore(%arg14 : memref<!tpu.dma_semaphore, #tpu.memory_space<semaphore_mem>>) src(%arg10 : memref<400x128xf32, #tpu.memory_space<vmem>>) dst(%dma_wait3A_235 : memref<400x128xf32, #tpu.memory_space<hbm>>)
      } else {
      }
      %lt3A_225 = arith.constant 48 : i32
      %lt3A_226 = arith.cmpi slt, %sub3A_219, %lt3A_225 : i32
      %convert_element_type3A_227 = arith.extui %lt3A_226 : i1 to i32
      %cond3A_228 = arith.constant 0 : i32
      %cond3A_229 = arith.cmpi ne, %convert_element_type3A_227, %cond3A_228 : i32
      scf.if %cond3A_229 {
        %sub3A_230 = arith.constant 32 : i32
        %sub3A_231 = arith.subi %sub3A_219, %sub3A_230 : i32
        %add3A_232 = arith.constant 32 : i32
        %add3A_233 = arith.addi %add3A_232, %sub3A_219 : i32
        %mul3A_234 = arith.constant 2 : i32
        %mul3A_235 = arith.muli %mul3A_234, %sub3A_231 : i32
        %add3A_236 = arith.constant 64 : i32
        %add3A_237 = arith.addi %add3A_236, %mul3A_235 : i32
        %mul3A_238 = arith.constant 2 : i32
        %mul3A_239 = arith.muli %mul3A_238, %sub3A_231 : i32
        %add3A_240 = arith.constant 64 : i32
        %add3A_241 = arith.addi %add3A_240, %mul3A_239 : i32
        %add3A_242 = arith.constant 1 : i32
        %add3A_243 = arith.addi %add3A_241, %add3A_242 : i32
        %lt3A_244 = arith.constant 32 : i32
        %lt3A_245 = arith.cmpi slt, %sub3A_219, %lt3A_244 : i32
        %select_n3A_246 = arith.select %lt3A_245, %sub3A_219, %add3A_237 : i32
        %select_n3A_247 = arith.select %lt3A_245, %add3A_233, %add3A_243 : i32
        %dma_start3A_248 = arith.constant 0 : i32
        %dma_start3A_249 = arith.constant 0 : i32
        %dma_start3A_250 = tpu.memref_slice %arg10[%dma_start3A_248, %dma_start3A_249] : memref<400x128xf32, #tpu.memory_space<vmem>> -> memref<128x128xf32, #tpu.memory_space<vmem>>
        %dma_start3A_251 = arith.constant 0 : i32
        %dma_start3A_252 = tpu.memref_slice %arg8[%select_n3A_246, %dma_start3A_251] : memref<96x128xi32, #tpu.memory_space<vmem>> -> memref<1x128xi32, #tpu.memory_space<vmem>>
        %dma_start3A_253 = tpu.memref_squeeze %dma_start3A_252 : memref<1x128xi32, #tpu.memory_space<vmem>> -> memref<128xi32, #tpu.memory_space<vmem>>
        %dma_start3A_254 = arith.constant 0 : i32
        %dma_start3A_255 = arith.constant 0 : i32
        %dma_start3A_256 = tpu.memref_slice %arg7[%dma_start3A_254, %dma_start3A_255] : memref<256x128xf32, #tpu.memory_space<vmem_shared>> -> memref<256x128xf32, #tpu.memory_space<vmem_shared>>
        tpu.enqueue_indirect_dma source(%dma_start3A_256 : memref<256x128xf32, #tpu.memory_space<vmem_shared>>) target(%dma_start3A_250 : memref<128x128xf32, #tpu.memory_space<vmem>>) offsets(%dma_start3A_253 : memref<128xi32, #tpu.memory_space<vmem>>) semaphore(%arg12 : memref<!tpu.dma_semaphore, #tpu.memory_space<semaphore_mem>>)
        %dma_start3A_257 = arith.constant 128 : i32
        %dma_start3A_258 = arith.constant 0 : i32
        %dma_start3A_259 = tpu.memref_slice %arg10[%dma_start3A_257, %dma_start3A_258] : memref<400x128xf32, #tpu.memory_space<vmem>> -> memref<72x128xf32, #tpu.memory_space<vmem>>
        %dma_start3A_260 = arith.constant 0 : i32
        %dma_start3A_261 = tpu.memref_slice %arg9[%select_n3A_246, %dma_start3A_260] : memref<96x72xi32, #tpu.memory_space<vmem>> -> memref<1x72xi32, #tpu.memory_space<vmem>>
        %dma_start3A_262 = tpu.memref_squeeze %dma_start3A_261 : memref<1x72xi32, #tpu.memory_space<vmem>> -> memref<72xi32, #tpu.memory_space<vmem>>
        %dma_start3A_263 = arith.constant 0 : i32
        %dma_start3A_264 = arith.constant 0 : i32
        %dma_start3A_265 = tpu.memref_slice %arg7[%dma_start3A_263, %dma_start3A_264] : memref<256x128xf32, #tpu.memory_space<vmem_shared>> -> memref<256x128xf32, #tpu.memory_space<vmem_shared>>
        tpu.enqueue_indirect_dma source(%dma_start3A_265 : memref<256x128xf32, #tpu.memory_space<vmem_shared>>) target(%dma_start3A_259 : memref<72x128xf32, #tpu.memory_space<vmem>>) offsets(%dma_start3A_262 : memref<72xi32, #tpu.memory_space<vmem>>) semaphore(%arg12 : memref<!tpu.dma_semaphore, #tpu.memory_space<semaphore_mem>>)
        %dma_start3A_266 = arith.constant 200 : i32
        %dma_start3A_267 = arith.constant 0 : i32
        %dma_start3A_268 = tpu.memref_slice %arg10[%dma_start3A_266, %dma_start3A_267] : memref<400x128xf32, #tpu.memory_space<vmem>> -> memref<128x128xf32, #tpu.memory_space<vmem>>
        %dma_start3A_269 = arith.constant 0 : i32
        %dma_start3A_270 = tpu.memref_slice %arg8[%select_n3A_247, %dma_start3A_269] : memref<96x128xi32, #tpu.memory_space<vmem>> -> memref<1x128xi32, #tpu.memory_space<vmem>>
        %dma_start3A_271 = tpu.memref_squeeze %dma_start3A_270 : memref<1x128xi32, #tpu.memory_space<vmem>> -> memref<128xi32, #tpu.memory_space<vmem>>
        %dma_start3A_272 = arith.constant 0 : i32
        %dma_start3A_273 = arith.constant 0 : i32
        %dma_start3A_274 = tpu.memref_slice %arg7[%dma_start3A_272, %dma_start3A_273] : memref<256x128xf32, #tpu.memory_space<vmem_shared>> -> memref<256x128xf32, #tpu.memory_space<vmem_shared>>
        tpu.enqueue_indirect_dma source(%dma_start3A_274 : memref<256x128xf32, #tpu.memory_space<vmem_shared>>) target(%dma_start3A_268 : memref<128x128xf32, #tpu.memory_space<vmem>>) offsets(%dma_start3A_271 : memref<128xi32, #tpu.memory_space<vmem>>) semaphore(%arg12 : memref<!tpu.dma_semaphore, #tpu.memory_space<semaphore_mem>>)
        %dma_start3A_275 = arith.constant 328 : i32
        %dma_start3A_276 = arith.constant 0 : i32
        %dma_start3A_277 = tpu.memref_slice %arg10[%dma_start3A_275, %dma_start3A_276] : memref<400x128xf32, #tpu.memory_space<vmem>> -> memref<72x128xf32, #tpu.memory_space<vmem>>
        %dma_start3A_278 = arith.constant 0 : i32
        %dma_start3A_279 = tpu.memref_slice %arg9[%select_n3A_247, %dma_start3A_278] : memref<96x72xi32, #tpu.memory_space<vmem>> -> memref<1x72xi32, #tpu.memory_space<vmem>>
        %dma_start3A_280 = tpu.memref_squeeze %dma_start3A_279 : memref<1x72xi32, #tpu.memory_space<vmem>> -> memref<72xi32, #tpu.memory_space<vmem>>
        %dma_start3A_281 = arith.constant 0 : i32
        %dma_start3A_282 = arith.constant 0 : i32
        %dma_start3A_283 = tpu.memref_slice %arg7[%dma_start3A_281, %dma_start3A_282] : memref<256x128xf32, #tpu.memory_space<vmem_shared>> -> memref<256x128xf32, #tpu.memory_space<vmem_shared>>
        tpu.enqueue_indirect_dma source(%dma_start3A_283 : memref<256x128xf32, #tpu.memory_space<vmem_shared>>) target(%dma_start3A_277 : memref<72x128xf32, #tpu.memory_space<vmem>>) offsets(%dma_start3A_280 : memref<72xi32, #tpu.memory_space<vmem>>) semaphore(%arg12 : memref<!tpu.dma_semaphore, #tpu.memory_space<semaphore_mem>>)
      } else {
      }
    }
    %scan3A_58 = arith.constant 24 : i32
    %dma_wait3A = arith.constant 0 : i32
    %dma_wait3A_59 = arith.constant 0 : i32
    %dma_wait3A_60 = tpu.memref_slice %arg5[%dma_wait3A, %dma_wait3A_59] : memref<409600x128xf32, #tpu.memory_space<hbm>> -> memref<400x128xf32, #tpu.memory_space<hbm>>
    %dma_wait3A_61 = arith.constant 0 : i32
    %dma_wait3A_62 = arith.constant 0 : i32
    %dma_wait3A_63 = tpu.memref_slice %arg5[%dma_wait3A_61, %dma_wait3A_62] : memref<409600x128xf32, #tpu.memory_space<hbm>> -> memref<400x128xf32, #tpu.memory_space<hbm>>
    tpu.wait_dma2 semaphore(%arg15 : memref<!tpu.dma_semaphore, #tpu.memory_space<semaphore_mem>>) src(%arg11 : memref<400x128xf32, #tpu.memory_space<vmem>>) dst(%dma_wait3A_63 : memref<400x128xf32, #tpu.memory_space<hbm>>)
    return
  }
}

</mosaic_0001>

<sc_bundles>
// kernel: kernel.3.cloned.1.call-start
scs
__scs_entry_jumppad:
0x0: {  	(pc) =	sbr.rel $0x88, $3  }
0x1: {  	(tag) =	ssettag $0x0;
	lr =	simm.s32 $0x1  }
0x2: {  	[smem:$0x3F9C] =	sst lr;
	_ =	strace $0xD0000000  }
0x3: {  	_ = 	snop  }
0x4: {  	_ = 	snop  }
0x5: {  	_ = 	snop  }
0x6: {  	_ = 	snop  }
0x7: {  	_ = 	snop  }
__scs_overlays_trampoline_lowered:
0x8: {  	[smem:$0x3FAB] =	sst s0  }
0x9: {  	[smem:$0x3FAC] =	sst s1  }
0xa: {  	[smem:$0x3FAD] =	sst s2  }
0xb: {  	[smem:$0x3FAE] =	sst s3  }
0xc: {  	[smem:$0x3FAF] =	sst s4  }
0xd: {  	[smem:$0x3FB0] =	sst s5  }
0xe: {  	[smem:$0x3FB1] =	sst s6  }
0xf: {  	[smem:$0x3FB2] =	sst s7  }
0x10: {  	[smem:$0x3FB3] =	sst s8  }
0x11: {  	[smem:$0x3FB4] =	sst s9;
	s0 =	simm.s32 @!p0 $0x0  }
0x12: {  	s1 =	sld [smem:$0x3F9A];
	s0 =	simm.s32 @p0 $0x1  }
0x13: {  	[smem:$0x3FB5] =	sst s0;
	s0 =	simm.s32 @!p1 $0x0  }
0x14: {  	s2 =	sld [smem:$0x3F99];
	s0 =	simm.s32 @p1 $0x1  }
0x15: {  	[smem:$0x3FB6] =	sst s0;
	s0 =	simm.s32 @!p2 $0x0  }
0x16: {  	s3 =	sld [smem:$0x3FDB];
	s0 =	simm.s32 @p2 $0x1  }
0x17: {  	s4 =	simm.s32 $0x1BF5;
	[smem:$0x3FB8] =	sst s0  }
0x18: {  	s0 =	sld [smem:$0x3F9B];
	_ =	swait.ge [sflag:s4], $0x0  }
0x19: {  	s7 =	sld [smem:$0x3F9C]  }
0x1a: {  	s8 =	sadd.s32 $0xFFFFE003, lr  }
0x1b: {  	s9 =	sadd.s32 $0xFFFFFEF7, lr;
	s5 =	simm.s32 $0xFFFFFFFF;
	p2 =	slt.u32 s8, $0xFFFFF086  }
0x1c: {  	p1 =	slt.u32 s9, $0xF7A;
	s5 =	simm.s32 @!p2 $0x0  }
0x1d: {  	s5 =	simm.s32 @p1 $0x1;
	p0 =	seq.s32 s7, s2  }
0x1e: {  	s7 =	smul.u32 @!p0 $0xF7A, s2;
	p2 =	seq.s32 @!p0 s5, $0x0  }
0x1f: {  	s9 =	smul.u32 $0xF7A, s1;
	s8 =	simm.s32 @!p0 $0x1BF5;
	p2 =	por !p2, p0  }
0x20: {  	[sflag:s8] =	ssyncset.s32 @!p0 $0xFFFFF086;
	s6 =	sadd.s32 @!p0 s3, s7;
	s7 =	simm.s32 @!p0 $0x108  }
0x21: {  	s3 =	sadd.s32 s3, s9;
	s6 =	sadd.s32 @!p0 $0x88, s6;
	s7 =	simm.s32 @p2 $0x1082  }
0x22: {  	[simem:s7], [sflag:s8] =	dma.local @!p0 [hbm:s6], $0xF7A  }
0x23: {  	s9 =	sor.u32 $0xD0000000, s2;
	s6 =	simm.s32 $0x108;
	_ =	swait.ge @!p0 [sflag:s8], $0x0  }
0x24: {  	s3 =	sadd.s32 $0x88, s3;
	s6 =	simm.s32 @!p1 $0x1082;
	[sflag:s4] =	ssyncset.s32 $0xFFFFF086  }
0x25: {  	[simem:s6], [sflag:s4] =	dma.local [hbm:s3], $0xF7A  }
0x26: {  	[smem:$0x3F9C] =	sst s1;
	(tag) =	ssettag s2;
	_ =	strace s9  }
0x27: {  	s1 =	sld [smem:$0x3FAC]  }
0x28: {  	s2 =	sld [smem:$0x3FAD]  }
0x29: {  	s4 =	sld [smem:$0x3FAF]  }
0x2a: {  	p0 =	seq.s32 s5, $0x0;
	s5 =	sld [smem:$0x3FB0]  }
0x2b: {  	s6 =	sld [smem:$0x3FB1]  }
0x2c: {  	s7 =	sld [smem:$0x3FB2]  }
0x2d: {  	s3 =	simm.s32 $0x108;
	s8 =	sld [smem:$0x3FB3]  }
0x2e: {  	s3 =	simm.s32 @!p0 $0x1082;
	s9 =	sld [smem:$0x3FB4]  }
0x2f: {  	lr =	sadd.s32 s0, s3;
	s0 =	sld [smem:$0x3FAB]  }
0x30: {  	s3 =	sld [smem:$0x3FAE]  }
0x31: {  	[smem:$0x3FB7] =	sst s10  }
0x32: {  	s10 =	sld [smem:$0x3FB5];
	_ =	sdelay $0x3  }
0x33: {  	p0 =	seq.s32 s10, $0x1;
	s10 =	sld [smem:$0x3FB7];
	_ =	sdelay $0x3  }
0x34: {  	[smem:$0x3FB7] =	sst s10  }
0x35: {  	s10 =	sld [smem:$0x3FB6];
	_ =	sdelay $0x3  }
0x36: {  	p1 =	seq.s32 s10, $0x1;
	s10 =	sld [smem:$0x3FB7];
	_ =	sdelay $0x3  }
0x37: {  	[smem:$0x3FB7] =	sst s10  }
0x38: {  	s10 =	sld [smem:$0x3FB8]  }
0x39: {  	_ = 	snop;
	(pc) =	sbr.ind lr, $3  }
0x3a: {  	_ = 	snop  }
0x3b: {  	_ = 	snop  }
0x3c: {  	p2 =	seq.s32 s10, $0x1;
	s10 =	sld [smem:$0x3FB7]  }
0x3d: {  	_ =	shalt  }
0x3e: {  	_ =	shalt  }
0x3f: {  	_ =	shalt  }
0x40: {  	_ =	shalt  }
0x41: {  	_ =	shalt  }
0x42: {  	_ =	shalt  }
0x43: {  	_ =	shalt  }
0x44: {  	_ =	shalt  }
0x45: {  	_ =	shalt  }
0x46: {  	_ =	shalt  }
0x47: {  	_ =	shalt  }
0x48: {  	_ =	shalt  }
0x49: {  	_ =	shalt  }
0x4a: {  	_ =	shalt  }
0x4b: {  	_ =	shalt  }
0x4c: {  	_ =	shalt  }
0x4d: {  	_ =	shalt  }
0x4e: {  	_ =	shalt  }
0x4f: {  	_ =	shalt  }
0x50: {  	_ =	shalt  }
0x51: {  	_ =	shalt  }
0x52: {  	_ =	shalt  }
0x53: {  	_ =	shalt  }
0x54: {  	_ =	shalt  }
0x55: {  	_ =	shalt  }
0x56: {  	_ =	shalt  }
0x57: {  	_ =	shalt  }
0x58: {  	_ =	shalt  }
0x59: {  	_ =	shalt  }
0x5a: {  	_ =	shalt  }
0x5b: {  	_ =	shalt  }
0x5c: {  	_ =	shalt  }
0x5d: {  	_ =	shalt  }
0x5e: {  	_ =	shalt  }
0x5f: {  	_ =	shalt  }
0x60: {  	_ =	shalt  }
0x61: {  	_ =	shalt  }
0x62: {  	_ =	shalt  }
0x63: {  	_ =	shalt  }
0x64: {  	_ =	shalt  }
0x65: {  	_ =	shalt  }
0x66: {  	_ =	shalt  }
0x67: {  	_ =	shalt  }
0x68: {  	_ =	shalt  }
0x69: {  	_ =	shalt  }
0x6a: {  	_ =	shalt  }
0x6b: {  	_ =	shalt  }
0x6c: {  	_ =	shalt  }
0x6d: {  	_ =	shalt  }
0x6e: {  	_ =	shalt  }
0x6f: {  	_ =	shalt  }
0x70: {  	_ =	shalt  }
0x71: {  	_ =	shalt  }
0x72: {  	_ =	shalt  }
0x73: {  	_ =	shalt  }
0x74: {  	_ =	shalt  }
0x75: {  	_ =	shalt  }
0x76: {  	_ =	shalt  }
0x77: {  	_ =	shalt  }
0x78: {  	_ =	shalt  }
0x79: {  	_ =	shalt  }
0x7a: {  	_ =	shalt  }
0x7b: {  	_ =	shalt  }
0x7c: {  	_ =	shalt  }
0x7d: {  	_ =	shalt  }
0x7e: {  	_ =	shalt  }
0x7f: {  	_ =	shalt  }
0x80: {  	_ =	shalt  }
0x81: {  	_ =	shalt  }
0x82: {  	_ =	shalt  }
0x83: {  	_ =	shalt  }
0x84: {  	_ =	shalt  }
0x85: {  	_ =	shalt  }
0x86: {  	_ =	shalt  }
0x87: {  	_ =	shalt  }
.Lfunc_end0:
.L_simem_size_0:
called_computation_lowered:
.L_overlay_start_0:
0x88: {  	s2 =	sld [smem:$0x3FD9]  }
0x89: {  	s3 =	sld [smem:$0x3FFE];
	_ =	sdelay $0x1  }
0x8a: {  	s1 =	srdreg.scid  }
0x8b: {  	s0 =	sand.u32 $0x1, s1  }
0x8c: {  	s14 =	sshll.u32 s0, $0xA;
	s2 =	sadd.s32 s3, s2  }
0x8d: {  	s2 =	sadd.s32 s2, s14  }
0x8e: {  	[smem:$0x3FC3] =	sst s2  }
0x8f: {  	_ = 	snop  }
0x90: {  	s2 =	sld [smem:$0x3FD0];
	_ =	sdelay $0x2  }
0x91: {  	s15 =	simm.s32 $0xA;
	s4 =	simm.s32 $0x10  }
0x92: {  	[smem:s4], [sflag:s15] =	dma.local [hbm:s2], $0x1  }
0x93: {  	_ =	swait.eq [sflag:s15], $0x1  }
0x94: {  	s16 =	sld [smem:$0x10];
	[sflag:s15] =	ssyncset.done $0x0  }
0x95: {  	s17 =	sld [smem:$0x11];
	[sflag:s15] =	ssyncadd.s32 $0xFFFFFFFF  }
0x96: {  	s18 =	sld [smem:$0x12];
	(tm) =	ssettm $0x1  }
0x97: {  	s5 =	sld [smem:$0x3FFB];
	_ =	sdelay $0x3  }
0x98: {  	_ =	strace s5  }
0x99: {  	s5 =	sld [smem:$0x3FFC];
	_ =	sdelay $0x3  }
0x9a: {  	_ =	strace s5  }
0x9b: {  	s5 =	sld [smem:$0x3FFD];
	_ =	sdelay $0x3  }
0x9c: {  	_ =	strace s5  }
0x9d: {  	_ =	strace $0x8FFFFFFF  }
0x9e: {  	s19 =	sld [smem:$0x3FDB];
	_ =	sdelay $0x1  }
0x9f: {  	s6 =	simm.s32 $_scs_section_size  }
0xa0: {  	s7 =	simm.s32 $_size__tile_overlayer_lowered;
	s8 =	simm.s32 $_tile_overlayer_lowered  }
0xa1: {  	s22 =	simm.s32 $0x1BFF;
	s21 =	sshll.u32 s8, $0x1;
	s5 =	sadd.s32 s6, s19  }
0xa2: {  	s9 =	simm.s32 $0x0;
	s20 =	sshll.u32 s7, $0x1;
	s7 =	sadd.s32 s21, s5  }
0xa3: {  	[timem:s9], [sflag:s22] =	dma.local [hbm:s7], s20  }
0xa4: {  	_ =	swait.ge [sflag:s22], s20  }
0xa5: {  	s6 =	ssub.s32 $0x0, s20;
	[sflag:s22] =	ssyncset.done $0x0  }
0xa6: {  	[sflag:s22] =	ssyncadd.s32 s6;
	_ =	sdelay $0x1  }
0xa7: {  	s23 =	simm.s32 $0x1B8B  }
0xa8: {  	_ =	swait.ge [sflag:s23], $0x1  }
0xa9: {  	[sflag:s23] =	ssyncset.done $0x0  }
0xaa: {  	s25 =	simm.s32 $0x1B8E;
	s24 =	sld [smem:$0x3FFE];
	[sflag:s23] =	ssyncadd.s32 $0xFFFFFFFF  }
0xab: {  	s26 =	simm.s32 $execute0_lowered;
	[smem:$0x3FD2] =	sst s25  }
0xac: {  	s7 =	sshll.u32 s26, $0x1;
	_ =	strace $0x80000046;
	[dreg:$0x1] =	wrdreg $0xFFFFFFFF  }
0xad: {  	s28 =	simm.s32 $_size_execute0_lowered;
	s5 =	sadd.s32 s5, s7;
	[dreg:$0x0] =	wrdreg $0x0  }
0xae: {  	s7 =	sshll.u32 s28, $0x1;
	[dreg:$0x2] =	wrdreg s5  }
0xaf: {  	[dreg:$0x3] =	wrdreg s7  }
0xb0: {  	[dreg:$0x4] =	wrdreg $0xC0  }
0xb1: {  	_ =	task [dreg:s9], $0x5FFFF  }
0xb2: {  	[dreg:$0x1] =	wrdreg $0xFFFFFFFF  }
0xb3: {  	[dreg:$0x0] =	wrdreg $0x60  }
0xb4: {  	[dreg:$0x2] =	wrdreg s24  }
0xb5: {  	[dreg:$0x3] =	wrdreg s18  }
0xb6: {  	[dreg:$0x4] =	wrdreg s16  }
0xb7: {  	[dreg:$0x5] =	wrdreg s17  }
0xb8: {  	[dreg:$0x6] =	wrdreg $0x0  }
0xb9: {  	[dreg:$0x7] =	wrdreg $0x9  }
0xba: {  	_ =	task.clear_ibuf [dreg:s9], $0x8FFFF;
	_ =	strace $0x90000046  }
0xbb: {  	s29 =	simm.s32 $0x9;
	_ =	strace $0x80000048  }
0xbc: {  	_ =	swait.ge [sflag:s29], $0x1  }
0xbd: {  	[sflag:s29] =	ssyncadd.s32 $0xFFFFFFFF  }
0xbe: {  	_ =	strace $0x90000048  }
0xbf: {  	_ =	sfence  }
0xc0: {  	s30 =	sld [smem:$0x0];
	_ =	sdelay $0x2  }
0xc1: {  	s31 =	sshll.u32 s1, $0xD;
	s1 =	sshrl.u32 s1, $0x2  }
0xc2: {  	s3 =	sand.u32 $0x4000, s31;
	s1 =	sadd.s32 s1, s30  }
0xc3: {  	s0 =	sor.u32 s3, s0;
	s1 =	sshll.u32 s1, $0x11  }
0xc4: {  	s0 =	sor.u32 s1, s0  }
0xc5: {  	s0 =	sadd.s32 $0x8F2B, s0  }
0xc6: {  	[sflag:s0] =	ssyncadd.remote.s32 $0x1  }
0xc7: {  	_ =	sfence.sel $0xFFFF  }
0xc8: {  	[dreg:$0x0] =	wrdreg $0xFFFFFFFF;
	(pc) =	sbr.abs _section_cstart, $3  }
0xc9: {  	[dreg:$0x1] =	wrdreg $0xFFFFFFFF  }
0xca: {  	_ =	task.clear_ibuf [dreg:s9], $0x2FFFF;
	_ =	strace $0x9FFFFFFF  }
0xcb: {  	(tm) =	ssettm $0x7FFFFFFF  }
tec
execute0_lowered:
.L_overlay_start_1:
0x0: {  	(tag) =	ssettag $0x1  }
0x1: {  	s0 =	rddreg [dreg:$0x0]  }
0x2: {  	s2 =	rddreg [dreg:$0x2]  }
0x3: {  	s3 =	rddreg [dreg:$0x3]  }
0x4: {  	s4 =	rddreg [dreg:$0x4]  }
0x5: {  	s5 =	simm.s32 $0x0;
	s1 =	srdreg.scid;
	s7 =	stileid.u32  }
0x6: {  	s28 =	simm.s32 $0xCC00;
	s29 =	simm.s32 $0x10C00;
	s30 =	simm.s32 $0x1  }
0x7: {  	s31 =	simm.s32 $0x4;
	[smem:$0x7FF] =	sst s5;
	s1 =	sand.u32 $0x1, s1  }
0x8: {  	s6 =	sshll.u32 s7, $0x6;
	s10 =	sadd.s32 $0x1600, s0;
	s12 =	smul.u32 $0x190000, s7  }
0x9: {  	s0 =	sadd.s32 $0xD600, s0;
	s21 =	smul.u32 $0x64000, s7;
	p0 =	sne.s32 s7, $0x0  }
0xa: {  	s7 =	simm.s32 $0x2;
	_ =	strace $0x80000047;
	s14 =	smul.u32 $0xC8000, s1  }
0xb: {  	s8 =	ssub.s32 $0x2, s1;
	s9 =	sshll.u32 s1, $0x5;
	s23 =	smul.u32 $0x32000, s1  }
0xc: {  	s1 =	simm.s32 $0x17000;
	s11 =	sshrl.u32 s8, $0x1;
	s6 =	sor.u32 s9, s6  }
0xd: {  	s25 =	sadd.s32 s21, s2;
	s21 =	simm.s32 $0x4800;
	s9 =	sshll.u32 s6, $0x4  }
0xe: {  	s8 =	ssub.s32 s8, s11;
	s26 =	sadd.s32 s14, s12;
	s18 =	sadd.s32 s10, s9  }
0xf: {  	s19 =	sor.u32 $0x4000, s9;
	s20 =	sor.u32 $0x8000, s9;
	[dreg:$0xd] =	wrdreg s26  }
0x10: {  	s9 =	sadd.s32 s0, s9;
	s24 =	smax.u32 s8, $0x1;
	[dreg:$0x6] =	wrdreg s18  }
0x11: {  	s26 =	simm.s32 $0xA800;
	s8 =	simm.s32 $0x3;
	[dreg:$0x9] =	wrdreg s9  }
0x12: {  	s13 =	sadd.s32 s10, s19;
	s10 =	sadd.s32 s10, s20;
	[dreg:$0xc] =	wrdreg s24  }
0x13: {  	s22 =	sadd.s32 s0, s19;
	s0 =	sadd.s32 s0, s20;
	[dreg:$0x7] =	wrdreg s13  }
.Ltmp0:
0x14: {  	s24 =	simm.s32 $0x6800;
	[dreg:$0x8] =	wrdreg s10;
	(pc) =	sbr.rel .LBB2_1-.Ltmp0, $4  }
0x15: {  	s19 =	simm.s32 $0x19400;
	s9 =	simm.s32 $0x0;
	[dreg:$0xa] =	wrdreg s22  }
0x16: {  	[dreg:$0xb] =	wrdreg s0;
	s0 =	sadd.s32 s23, s25;
	s23 =	simm.s32 $0x80  }
0x17: {  	s25 =	simm.s32 $0x48;
	[dreg:$0xe] =	wrdreg s0;
	s0 =	sshrl.u32 @!p0 s4, $0x3  }
0x18: {  	s22 =	simm.s32 $0x1D400;
	[dreg:$0xf] =	wrdreg s0;
	s0 =	simm.s32 $0x13000  }
.LBB2_9:
0x19: {  	_ =	swait.ge [sflag:s31], $0xC800  }
0x1a: {  	s9 =	sadd.s32 $0x1, s9;
	s10 =	rddreg [dreg:$0xc]  }
0x1b: {  	p1 =	sne.s32 s9, s10  }
.Ltmp1:
0x1c: {  	_ = 	snop;
	(pc) =	sbr.rel @!p1 .LBB2_10-.Ltmp1, $3  }
0x1d: {  	_ =	sdelay $0x1  }
0x1e: {  	[sflag:s31] =	ssyncset.done $0x0  }
0x1f: {  	[sflag:s31] =	ssyncadd.s32 $0xFFFF3800  }
.LBB2_1:
0x20: {  	s11 =	rddreg [dreg:$0x1]  }
0x21: {  	s10 =	simm.s32 @!p0 $0x1C05;
	s12 =	rddreg [dreg:$0xf]  }
0x22: {  	[spmem:s12], [sflag:s10] =	dma.local @!p0 [hbm:s11], $0x1000  }
0x23: {  	s10 =	simm.s32 @!p0 $0x5  }
0x24: {  	_ =	swait.ge @!p0 [sflag:s10], $0x1000  }
0x25: {  	s12 =	simm.s32 $0x800;
	[sflag:s10] =	ssyncset.done @!p0 $0x0  }
0x26: {  	s13 =	rddreg [dreg:$0x6];
	[sflag:s10] =	ssyncadd.s32 @!p0 $0xFFFFF000;
	s10 =	simm.s32 $0x5  }
0x27: {  	[tilespmem:s12], [sflag:$0x5] =	stream.linear.gather [hbm4b:s13+s5], $0x1000, $0x38;
	[tilespmem:$0x1F800] =	vst v63  }
0x28: {  	_ =	swait.ge [sflag:s10], $0x1000  }
0x29: {  	[sflag:s10] =	ssyncset.done $0x0  }
0x2a: {  	s13 =	simm.s32 $0x1800;
	s14 =	rddreg [dreg:$0x7];
	[sflag:s10] =	ssyncadd.s32 $0xFFFFF000  }
0x2b: {  	[tilespmem:s13], [sflag:$0x5] =	stream.linear.gather [hbm4b:s14+s5], $0x1000, $0x38;
	[tilespmem:$0x1F800] =	vst v63  }
0x2c: {  	_ =	swait.ge [sflag:s10], $0x1000  }
0x2d: {  	[sflag:s10] =	ssyncset.done $0x0  }
0x2e: {  	s14 =	simm.s32 $0x2800;
	s15 =	rddreg [dreg:$0x8];
	[sflag:s10] =	ssyncadd.s32 $0xFFFFF000  }
0x2f: {  	[tilespmem:s14], [sflag:$0x5] =	stream.linear.gather [hbm4b:s15+s5], $0x1000, $0x38;
	[tilespmem:$0x1F800] =	vst v63  }
0x30: {  	_ =	swait.ge [sflag:s10], $0x1000  }
0x31: {  	[sflag:s10] =	ssyncset.done $0x0  }
0x32: {  	s17 =	simm.s32 $0x3800;
	s16 =	rddreg [dreg:$0x9];
	[sflag:s10] =	ssyncadd.s32 $0xFFFFF000  }
0x33: {  	[tilespmem:s17], [sflag:$0x5] =	stream.linear.gather [hbm4b:s16+s5], $0x1000, $0x38;
	[tilespmem:$0x1F800] =	vst v63  }
0x34: {  	_ =	swait.ge [sflag:s10], $0x1000  }
0x35: {  	[sflag:s10] =	ssyncset.done $0x0  }
0x36: {  	s18 =	rddreg [dreg:$0xa];
	[sflag:s10] =	ssyncadd.s32 $0xFFFFF000  }
0x37: {  	[tilespmem:s21], [sflag:$0x5] =	stream.linear.gather [hbm4b:s18+s5], $0x1000, $0x38;
	[tilespmem:$0x1F800] =	vst v63  }
0x38: {  	_ =	swait.ge [sflag:s10], $0x1000  }
0x39: {  	[sflag:s10] =	ssyncset.done $0x0  }
0x3a: {  	s15 =	simm.s32 $0x5800;
	s20 =	rddreg [dreg:$0xb];
	[sflag:s10] =	ssyncadd.s32 $0xFFFFF000  }
0x3b: {  	[tilespmem:s15], [sflag:$0x5] =	stream.linear.gather [hbm4b:s20+s5], $0x1000, $0x38;
	[tilespmem:$0x1F800] =	vst v63  }
0x3c: {  	_ =	swait.ge [sflag:s10], $0x1000  }
0x3d: {  	[sflag:s10] =	ssyncset.done $0x0  }
0x3e: {  	[sflag:s10] =	ssyncadd.s32 $0xFFFFF000  }
0x3f: {  	[bflag:$0x0] =	sbarrier.arrive $0xFFFF  }
0x40: {  	[tilespmem:s24], [sflag:$0x1] =	stream.indirect.gather [spmem:s4], $0x80, s12, s23, $0xb8;
	[tilespmem:$0x1F800] =	vst v63  }
0x41: {  	_ = 	snop  }
0x42: {  	[tilespmem:s26], [sflag:$0x1] =	stream.indirect.gather [spmem:s4], $0x80, s17, s25, $0xb8;
	[tilespmem:$0x1F800] =	vst v63  }
0x43: {  	s15 =	rddreg [dreg:$0xe]  }
0x44: {  	[tilespmem:s28], [sflag:$0x1] =	stream.indirect.gather [spmem:s4], $0x80, s13, s23, $0xb8;
	[tilespmem:$0x1F800] =	vst v63  }
0x45: {  	s11 =	simm.s32 $0x22;
	s14 =	rddreg [dreg:$0xd];
	s17 =	simm.s32 $0x0  }
0x46: {  	[tilespmem:s29], [sflag:$0x1] =	stream.indirect.gather [spmem:s4], $0x80, s21, s25, $0xb8;
	[tilespmem:$0x1F800] =	vst v63  }
.LBB2_2:
0x47: {  	_ =	swait.ge [sflag:s30], $0x4000  }
0x48: {  	[sflag:s30] =	ssyncset.done $0x0  }
0x49: {  	[sflag:s30] =	ssyncadd.s32 $0xFFFFC000  }
0x4a: {  	_ =	swait.ge [sflag:s30], $0x2400  }
0x4b: {  	[sflag:s30] =	ssyncset.done $0x0  }
0x4c: {  	[sflag:s30] =	ssyncadd.s32 $0xFFFFDC00  }
0x4d: {  	p1 =	slt.u32 s17, $0x10;
	_ =	swait.ge [sflag:s30], $0x4000  }
.Ltmp2:
0x4e: {  	[sflag:s30] =	ssyncset.done $0x0;
	(pc) =	sbr.rel @p1 .LBB2_5-.Ltmp2, $4  }
0x4f: {  	[sflag:s30] =	ssyncadd.s32 $0xFFFFC000  }
0x50: {  	_ =	swait.ge [sflag:s30], $0x2400  }
0x51: {  	[sflag:s30] =	ssyncset.done $0x0  }
0x52: {  	[sflag:s30] =	ssyncadd.s32 $0xFFFFDC00  }
.Ltmp3:
0x53: {  	(pc) =	sbr.rel .LBB2_4-.Ltmp3, $4  }
0x54: {  	s18 =	sadd.s32 $0xFFE70000, s14  }
0x55: {  	s18 =	sshrl.u32 s18, $0x3  }
0x56: {  	s18 =	sadd.s32 s3, s18  }
0x57: {  	[hbm4b:s18+s5] =	stream.linear.scatter [tilespmem:s24], [sflag:$0x3], $0xC800, $0x38;
	[tilespmem:$0x1F800] =	vst v63  }
.LBB2_5:
0x58: {  	p1 =	seq.s32 s10, $0x5  }
.Ltmp4:
0x59: {  	_ = 	snop;
	(pc) =	sbr.rel @!p1 .LBB2_4-.Ltmp4, $2  }
0x5a: {  	_ =	sdelay $0x2  }
0x5b: {  	[hbm4b:s15+s5] =	stream.linear.scatter [tilespmem:s24], [sflag:$0x3], $0xC800, $0x38;
	[tilespmem:$0x1F800] =	vst v63  }
.Ltmp5:
0x5c: {  	(pc) =	sbr.rel .LBB2_7-.Ltmp5, $3  }
0x5d: {  	_ =	sdelay $0x1  }
0x5e: {  	s18 =	sshll.u32 s17, $0x1  }
0x5f: {  	s16 =	sor.u32 $0x1, s18  }
.LBB2_4:
0x60: {  	_ =	swait.ge [sflag:s31], $0xC800  }
0x61: {  	[sflag:s31] =	ssyncset.done $0x0  }
0x62: {  	s16 =	sadd.s32 $0xFFFFFFDF, s11;
	[sflag:s31] =	ssyncadd.s32 $0xFFFF3800  }
.LBB2_7:
0x63: {  	p1 =	sgt.u32 s17, $0xF;
	s13 =	sadd.s32 $0xFFFFFFFD, s10;
	s18 =	smov.u32 s16  }
0x64: {  	s18 =	smov.u32 @p1 s13  }
0x65: {  	s12 =	sadd.s32 $0xFFFFFFFE, s10;
	s13 =	sshll.u32 s18, $0x7;
	s18 =	sadd.s32 $0xFFFFFFFF, s11  }
0x66: {  	s20 =	sadd.s32 $0x800, s13;
	s18 =	smov.u32 @p1 s12  }
0x67: {  	[tilespmem:s0], [sflag:$0x2] =	stream.indirect.gather [spmem:s4], $0x80, s20, s23, $0xb8;
	[tilespmem:$0x1F800] =	vst v63  }
0x68: {  	s13 =	sadd.s32 $0x3800, s13;
	s18 =	sshll.u32 s18, $0x7  }
0x69: {  	[tilespmem:s1], [sflag:$0x2] =	stream.indirect.gather [spmem:s4], $0x80, s13, s25, $0xb8;
	[tilespmem:$0x1F800] =	vst v63  }
0x6a: {  	s20 =	sadd.s32 $0x800, s18  }
0x6b: {  	[tilespmem:s19], [sflag:$0x2] =	stream.indirect.gather [spmem:s4], $0x80, s20, s23, $0xb8;
	[tilespmem:$0x1F800] =	vst v63  }
0x6c: {  	s12 =	sadd.s32 $0x3800, s18  }
0x6d: {  	[tilespmem:s22], [sflag:$0x2] =	stream.indirect.gather [spmem:s4], $0x80, s12, s25, $0xb8;
	[tilespmem:$0x1F800] =	vst v63  }
0x6e: {  	_ =	swait.ge [sflag:s7], $0x4000  }
0x6f: {  	[sflag:s7] =	ssyncset.done $0x0  }
0x70: {  	[sflag:s7] =	ssyncadd.s32 $0xFFFFC000  }
0x71: {  	_ =	swait.ge [sflag:s7], $0x2400  }
0x72: {  	[sflag:s7] =	ssyncset.done $0x0  }
0x73: {  	[sflag:s7] =	ssyncadd.s32 $0xFFFFDC00  }
0x74: {  	s12 =	sadd.s32 @!p1 s6, s16;
	_ =	swait.ge [sflag:s7], $0x4000  }
0x75: {  	s13 =	sadd.s32 @p1 $0xFFE7C800, s14;
	s12 =	smul.u32 @!p1 $0x1900, s12;
	[sflag:s7] =	ssyncset.done $0x0  }
0x76: {  	s13 =	sshrl.u32 @p1 s13, $0x3;
	[sflag:s7] =	ssyncadd.s32 $0xFFFFC000  }
0x77: {  	s13 =	sadd.s32 @p1 s3, s13;
	s12 =	sadd.s32 @!p1 s2, s12;
	_ =	swait.ge [sflag:s7], $0x2400  }
0x78: {  	s12 =	smov.u32 @p1 s13;
	p1 =	seq.s32 s10, $0x61;
	[sflag:s7] =	ssyncset.done $0x0  }
.Ltmp6:
0x79: {  	[sflag:s7] =	ssyncadd.s32 $0xFFFFDC00;
	(pc) =	sbr.rel @p1 .LBB2_9-.Ltmp6, $4  }
0x7a: {  	[hbm4b:s12+s5] =	stream.linear.scatter [tilespmem:s0], [sflag:$0x4], $0xC800, $0x38;
	[tilespmem:$0x1F800] =	vst v63  }
0x7b: {  	_ =	swait.ge [sflag:s8], $0xC800  }
0x7c: {  	[sflag:s8] =	ssyncset.done $0x0  }
0x7d: {  	[sflag:s8] =	ssyncadd.s32 $0xFFFF3800  }
0x7e: {  	s12 =	sadd.s32 $0xFFFFFFE0, s11;
	s13 =	sadd.s32 $0xFFFFFFFF, s10;
	p1 =	slt.u32 s17, $0xF  }
0x7f: {  	s13 =	smov.u32 @p1 s12  }
0x80: {  	s12 =	sshll.u32 s13, $0x7  }
0x81: {  	s16 =	smov.u32 s10;
	s13 =	sadd.s32 $0x800, s12  }
0x82: {  	[tilespmem:s24], [sflag:$0x1] =	stream.indirect.gather [spmem:s4], $0x80, s13, s23, $0xb8;
	[tilespmem:$0x1F800] =	vst v63  }
0x83: {  	s16 =	smov.u32 @p1 s11;
	s12 =	sadd.s32 $0x3800, s12  }
0x84: {  	[tilespmem:s26], [sflag:$0x1] =	stream.indirect.gather [spmem:s4], $0x80, s12, s25, $0xb8;
	[tilespmem:$0x1F800] =	vst v63  }
.Ltmp7:
0x85: {  	s17 =	sadd.s32 $0x1, s17;
	s18 =	sshll.u32 s16, $0x7;
	(pc) =	sbr.rel .LBB2_2-.Ltmp7, $4  }
0x86: {  	s10 =	sadd.s32 $0x4, s10;
	s14 =	sadd.s32 $0x19000, s14;
	s20 =	sadd.s32 $0x800, s18  }
0x87: {  	[tilespmem:s28], [sflag:$0x1] =	stream.indirect.gather [spmem:s4], $0x80, s20, s23, $0xb8;
	[tilespmem:$0x1F800] =	vst v63  }
0x88: {  	s15 =	sadd.s32 $0x3200, s15;
	s11 =	sadd.s32 $0x2, s11;
	s12 =	sadd.s32 $0x3800, s18  }
0x89: {  	[tilespmem:s29], [sflag:$0x1] =	stream.indirect.gather [spmem:s4], $0x80, s12, s25, $0xb8;
	[tilespmem:$0x1F800] =	vst v63  }
.LBB2_10:
0x8a: {  	_ =	sfence.sel $0x180000  }
0x8b: {  	[bflag:$0x0] =	sbarrier.arrive $0xFFFF  }
0x8c: {  	_ =	strace $0x90000047  }
0x8d: {  	[bflag:$0x2] =	sbarrier.arrive $0xFFFF  }
0x8e: {  	s0 =	rddreg [dreg:$0x5]  }
0x8f: {  	s0 =	sadd.s32 @!p0 $0x100000, s0  }
0x90: {  	[sflag:s0] =	ssyncadd.tile.s32 @!p0 $0x1;
	_ =	shalt  }
.Lfunc_end2:
_tile_overlayer_lowered:
.L_overlay_start_2:
0x91: {  	(tag) =	ssettag $0x2  }
0x92: {  	s0 =	rddreg [dreg:$0x0];
	s2 =	stileid.u32  }
0x93: {  	s1 =	rddreg [dreg:$0x1];
	p0 =	sne.s32 s2, $0x0  }
0x94: {  	s3 =	rddreg [dreg:$0x2];
	[bflag:$0x3] =	sbarrier.arrive $0xFFFF;
	s2 =	simm.s32 @!p0 $0x1C05  }
0x95: {  	[timem:s3], [sflag:s2] =	dma.local @!p0 [hbm:s0], s1  }
0x96: {  	s0 =	simm.s32 @!p0 $0x5  }
0x97: {  	_ =	swait.ge @!p0 [sflag:s0], s1  }
0x98: {  	s1 =	ssub.s32 @!p0 $0x0, s1;
	[sflag:s0] =	ssyncset.done @!p0 $0x0  }
0x99: {  	[sflag:s0] =	ssyncadd.s32 @!p0 s1  }
0x9a: {  	[bflag:$0x3] =	sbarrier.arrive $0xFFFF  }
0x9b: {  	_ =	shalt  }

</sc_bundles>
